<compile_context>
chip_gen: v7x
topology: tpu7x:2x2x1
jax: 0.10.2.dev20260603
libtpu: 0.0.44.dev20260713+nightly
codegen_flags: <defaults>
</compile_context>

<pallas_src>
import functools

import jax
import jax.numpy as jnp
from jax import lax
from jax.experimental import pallas as pl
from jax.experimental.pallas import tpu as pltpu
from jax.experimental.pallas import tpu_sc as plsc

_NC = 2
_NS = 16
_L = 16


def kernel(x, pe):
    batch, seq_len, dim = x.shape
    rows = batch * seq_len
    nw = _NC * _NS
    seq_w = seq_len // nw
    sch = 4
    n_ch = seq_w // sch
    chunk_el = sch * dim
    n_iter = (n_ch * batch) // 8
    nxb = 8

    mesh = plsc.VectorSubcoreMesh(core_axis_name="c", subcore_axis_name="s")

    scratch = (
        [pltpu.VMEM((chunk_el,), jnp.float32) for _ in range(nxb + 2)]
        + [pltpu.SemaphoreType.DMA for _ in range(2 * nxb + 2)]
    )

    @functools.partial(
        pl.kernel,
        mesh=mesh,
        out_type=jax.ShapeDtypeStruct((rows * dim,), jnp.float32),
        scratch_types=scratch,
    )
    def sc_add(x_hbm, pe_hbm, out_hbm, *scr):
        xb = scr[:nxb]
        peb = scr[nxb:nxb + 2]
        semx = scr[nxb + 2:2 * nxb + 2]
        semp = scr[2 * nxb + 2:2 * nxb + 4]
        semo = scr[2 * nxb + 4:3 * nxb + 4]

        wid = lax.axis_index("s") * _NC + lax.axis_index("c")
        s0 = wid * seq_w

        def x_off(g, local):
            ci = 2 * g + local // 4
            b = local % 4
            return (b * seq_len + s0 + ci * sch) * dim

        def pe_off(g, h):
            return (s0 + (2 * g + h) * sch) * dim

        def start_x(g, local, slot):
            pltpu.make_async_copy(
                x_hbm.at[pl.ds(x_off(g, local), chunk_el)], xb[slot], semx[slot]
            ).start()

        def wait_x(slot):
            pltpu.make_async_copy(
                x_hbm.at[pl.ds(0, chunk_el)], xb[slot], semx[slot]
            ).wait()

        def start_pe(g, h):
            pltpu.make_async_copy(
                pe_hbm.at[pl.ds(pe_off(g, h), chunk_el)], peb[h], semp[h]
            ).start()

        def wait_pe(h):
            pltpu.make_async_copy(
                pe_hbm.at[pl.ds(0, chunk_el)], peb[h], semp[h]
            ).wait()

        def start_out(g, local, slot):
            pltpu.make_async_copy(
                xb[slot], out_hbm.at[pl.ds(x_off(g, local), chunk_el)], semo[slot]
            ).start()

        def wait_out(slot):
            pltpu.make_async_copy(
                xb[slot], out_hbm.at[pl.ds(0, chunk_el)], semo[slot]
            ).wait()

        start_pe(0, 0)
        start_pe(0, 1)
        for sl in range(5):
            start_x(0, sl, sl)

        def iter_body(g, carry):
            for local in range(8):
                slot = local
                if local <= 2:
                    rs = local + 5

                    @pl.when(g > 0)
                    def _drain():
                        wait_out(rs)

                    start_x(g, rs, rs)
                else:
                    rs = local - 3

                    @pl.when(g + 1 < n_iter)
                    def _drain_fill():
                        wait_out(rs)
                        start_x(g + 1, rs, rs)

                if local == 0:
                    wait_pe(0)
                if local == 4:
                    wait_pe(1)
                wait_x(slot)

                xbuf = xb[slot]
                pb = peb[local // 4]

                @plsc.parallel_loop(0, chunk_el, step=4 * _L, unroll=2)
                def _vadd(o):
                    for u in range(4):
                        sl8 = pl.ds(o + u * _L, _L)
                        xbuf[sl8] = xbuf[sl8] + pb[sl8]

                start_out(g, local, slot)

                if local == 3:
                    @pl.when(g + 1 < n_iter)
                    def _pe0():
                        start_pe(g + 1, 0)
                if local == 7:
                    @pl.when(g + 1 < n_iter)
                    def _pe1():
                        start_pe(g + 1, 1)
            return carry

        lax.fori_loop(0, n_iter, iter_body, 0)
        for sl in range(nxb):
            wait_out(sl)

    out = sc_add(x.reshape(rows * dim), pe.reshape(seq_len * dim))
    return out.reshape(batch, seq_len, dim)

# --- scband reference (transcript-rebuilt; emitter-appended) ---
"""Pipeline reference for scband-absolute-learnable-positional-embedding-49538152792558 (READ-ONLY COPY).

The authoritative reference and input builder live on the scoring server;
editing this copy changes nothing except your own understanding.
"""

import jax, jax.numpy as jnp
import numpy as np

SEQ_LEN = 4096
DIM = 2048
BATCH = 4

def setup_inputs(seed: int = 0) -> dict:
    key = jax.random.key(seed)
    k1, k2 = jax.random.split(key)
    x = jax.random.normal(k1, (BATCH, SEQ_LEN, DIM), dtype=jnp.float32)
    # learned positional embedding table, nn.Embedding default init ~ N(0,1)
    pe = jax.random.normal(k2, (SEQ_LEN, DIM), dtype=jnp.float32)
    return {"x": x, "pe": pe}

def reference(x, pe):
    bs, seq_len, dim = x.shape
    pos = jnp.arange(seq_len)
    # embedding lookup -> gather rows of pe, broadcast-add over batch
    return x + jnp.take(pe, pos, axis=0)

if __name__ == "__main__":
    import jax
    _d = setup_inputs()
    print(jax.jit(kernel)(*tuple(_d.values())))

</pallas_src>

<mosaic_0001>
#map = affine_map<(d0, d1) -> (0)>
module attributes {stable_mosaic.version = 14 : i64} {
  func.func @sc_add(%arg0: i32, %arg1: i32, %arg2: memref<33554432xf32, #tpu.memory_space<hbm>>, %arg3: memref<8388608xf32, #tpu.memory_space<hbm>>, %arg4: memref<33554432xf32, #tpu.memory_space<hbm>>, %arg5: memref<8192xf32, #tpu.memory_space<vmem>>, %arg6: memref<8192xf32, #tpu.memory_space<vmem>>, %arg7: memref<8192xf32, #tpu.memory_space<vmem>>, %arg8: memref<8192xf32, #tpu.memory_space<vmem>>, %arg9: memref<8192xf32, #tpu.memory_space<vmem>>, %arg10: memref<8192xf32, #tpu.memory_space<vmem>>, %arg11: memref<8192xf32, #tpu.memory_space<vmem>>, %arg12: memref<8192xf32, #tpu.memory_space<vmem>>, %arg13: memref<8192xf32, #tpu.memory_space<vmem>>, %arg14: memref<8192xf32, #tpu.memory_space<vmem>>, %arg15: memref<!tpu.dma_semaphore, #tpu.memory_space<semaphore_mem>>, %arg16: memref<!tpu.dma_semaphore, #tpu.memory_space<semaphore_mem>>, %arg17: memref<!tpu.dma_semaphore, #tpu.memory_space<semaphore_mem>>, %arg18: memref<!tpu.dma_semaphore, #tpu.memory_space<semaphore_mem>>, %arg19: memref<!tpu.dma_semaphore, #tpu.memory_space<semaphore_mem>>, %arg20: memref<!tpu.dma_semaphore, #tpu.memory_space<semaphore_mem>>, %arg21: memref<!tpu.dma_semaphore, #tpu.memory_space<semaphore_mem>>, %arg22: memref<!tpu.dma_semaphore, #tpu.memory_space<semaphore_mem>>, %arg23: memref<!tpu.dma_semaphore, #tpu.memory_space<semaphore_mem>>, %arg24: memref<!tpu.dma_semaphore, #tpu.memory_space<semaphore_mem>>, %arg25: memref<!tpu.dma_semaphore, #tpu.memory_space<semaphore_mem>>, %arg26: memref<!tpu.dma_semaphore, #tpu.memory_space<semaphore_mem>>, %arg27: memref<!tpu.dma_semaphore, #tpu.memory_space<semaphore_mem>>, %arg28: memref<!tpu.dma_semaphore, #tpu.memory_space<semaphore_mem>>, %arg29: memref<!tpu.dma_semaphore, #tpu.memory_space<semaphore_mem>>, %arg30: memref<!tpu.dma_semaphore, #tpu.memory_space<semaphore_mem>>, %arg31: memref<!tpu.dma_semaphore, #tpu.memory_space<semaphore_mem>>, %arg32: memref<!tpu.dma_semaphore, #tpu.memory_space<semaphore_mem>>) attributes {dimension_semantics = [#tpu.dimension_semantics<core_parallel>, #tpu.dimension_semantics<subcore_parallel>], iteration_bounds = array<i64: 2, 16>, scalar_prefetch = 0 : i64, scratch_operands = 28 : i64, tpu.core_type = #tpu.core_type<sc_vector_subcore>, window_params = [{transform_indices = #map}, {transform_indices = #map}, {transform_indices = #map}]} {
    %mul3A = arith.constant 2 : i32
    %mul3A_0 = arith.muli %arg1, %mul3A : i32
    %add3A = arith.addi %mul3A_0, %arg0 : i32
    %mul3A_1 = arith.constant 128 : i32
    %mul3A_2 = arith.muli %add3A, %mul3A_1 : i32
    %add3A_3 = arith.constant 0 : i32
    %add3A_4 = arith.addi %mul3A_2, %add3A_3 : i32
    %mul3A_5 = arith.constant 2048 : i32
    %mul3A_6 = arith.muli %add3A_4, %mul3A_5 : i32
    %dma_start3A = tpu.memref_slice %arg3[%mul3A_6] : memref<8388608xf32, #tpu.memory_space<hbm>> -> memref<8192xf32, #tpu.memory_space<hbm>>
    %dma_start3A_7 = tpu.memref_slice %arg3[%mul3A_6] : memref<8388608xf32, #tpu.memory_space<hbm>> -> memref<8192xf32, #tpu.memory_space<hbm>>
    tpu.enqueue_dma source(%dma_start3A_7 : memref<8192xf32, #tpu.memory_space<hbm>>) target(%arg13 : memref<8192xf32, #tpu.memory_space<vmem>>) target_semaphore(%arg23 : memref<!tpu.dma_semaphore, #tpu.memory_space<semaphore_mem>>)
    %add3A_8 = arith.constant 4 : i32
    %add3A_9 = arith.addi %mul3A_2, %add3A_8 : i32
    %mul3A_10 = arith.constant 2048 : i32
    %mul3A_11 = arith.muli %add3A_9, %mul3A_10 : i32
    %dma_start3A_12 = tpu.memref_slice %arg3[%mul3A_11] : memref<8388608xf32, #tpu.memory_space<hbm>> -> memref<8192xf32, #tpu.memory_space<hbm>>
    %dma_start3A_13 = tpu.memref_slice %arg3[%mul3A_11] : memref<8388608xf32, #tpu.memory_space<hbm>> -> memref<8192xf32, #tpu.memory_space<hbm>>
    tpu.enqueue_dma source(%dma_start3A_13 : memref<8192xf32, #tpu.memory_space<hbm>>) target(%arg14 : memref<8192xf32, #tpu.memory_space<vmem>>) target_semaphore(%arg24 : memref<!tpu.dma_semaphore, #tpu.memory_space<semaphore_mem>>)
    %add3A_14 = arith.constant 0 : i32
    %add3A_15 = arith.addi %add3A_14, %mul3A_2 : i32
    %add3A_16 = arith.constant 0 : i32
    %add3A_17 = arith.addi %add3A_15, %add3A_16 : i32
    %mul3A_18 = arith.constant 2048 : i32
    %mul3A_19 = arith.muli %add3A_17, %mul3A_18 : i32
    %dma_start3A_20 = tpu.memref_slice %arg2[%mul3A_19] : memref<33554432xf32, #tpu.memory_space<hbm>> -> memref<8192xf32, #tpu.memory_space<hbm>>
    %dma_start3A_21 = tpu.memref_slice %arg2[%mul3A_19] : memref<33554432xf32, #tpu.memory_space<hbm>> -> memref<8192xf32, #tpu.memory_space<hbm>>
    tpu.enqueue_dma source(%dma_start3A_21 : memref<8192xf32, #tpu.memory_space<hbm>>) target(%arg5 : memref<8192xf32, #tpu.memory_space<vmem>>) target_semaphore(%arg15 : memref<!tpu.dma_semaphore, #tpu.memory_space<semaphore_mem>>)
    %add3A_22 = arith.constant 4096 : i32
    %add3A_23 = arith.addi %add3A_22, %mul3A_2 : i32
    %add3A_24 = arith.constant 0 : i32
    %add3A_25 = arith.addi %add3A_23, %add3A_24 : i32
    %mul3A_26 = arith.constant 2048 : i32
    %mul3A_27 = arith.muli %add3A_25, %mul3A_26 : i32
    %dma_start3A_28 = tpu.memref_slice %arg2[%mul3A_27] : memref<33554432xf32, #tpu.memory_space<hbm>> -> memref<8192xf32, #tpu.memory_space<hbm>>
    %dma_start3A_29 = tpu.memref_slice %arg2[%mul3A_27] : memref<33554432xf32, #tpu.memory_space<hbm>> -> memref<8192xf32, #tpu.memory_space<hbm>>
    tpu.enqueue_dma source(%dma_start3A_29 : memref<8192xf32, #tpu.memory_space<hbm>>) target(%arg6 : memref<8192xf32, #tpu.memory_space<vmem>>) target_semaphore(%arg16 : memref<!tpu.dma_semaphore, #tpu.memory_space<semaphore_mem>>)
    %add3A_30 = arith.constant 8192 : i32
    %add3A_31 = arith.addi %add3A_30, %mul3A_2 : i32
    %add3A_32 = arith.constant 0 : i32
    %add3A_33 = arith.addi %add3A_31, %add3A_32 : i32
    %mul3A_34 = arith.constant 2048 : i32
    %mul3A_35 = arith.muli %add3A_33, %mul3A_34 : i32
    %dma_start3A_36 = tpu.memref_slice %arg2[%mul3A_35] : memref<33554432xf32, #tpu.memory_space<hbm>> -> memref<8192xf32, #tpu.memory_space<hbm>>
    %dma_start3A_37 = tpu.memref_slice %arg2[%mul3A_35] : memref<33554432xf32, #tpu.memory_space<hbm>> -> memref<8192xf32, #tpu.memory_space<hbm>>
    tpu.enqueue_dma source(%dma_start3A_37 : memref<8192xf32, #tpu.memory_space<hbm>>) target(%arg7 : memref<8192xf32, #tpu.memory_space<vmem>>) target_semaphore(%arg17 : memref<!tpu.dma_semaphore, #tpu.memory_space<semaphore_mem>>)
    %add3A_38 = arith.constant 12288 : i32
    %add3A_39 = arith.addi %add3A_38, %mul3A_2 : i32
    %add3A_40 = arith.constant 0 : i32
    %add3A_41 = arith.addi %add3A_39, %add3A_40 : i32
    %mul3A_42 = arith.constant 2048 : i32
    %mul3A_43 = arith.muli %add3A_41, %mul3A_42 : i32
    %dma_start3A_44 = tpu.memref_slice %arg2[%mul3A_43] : memref<33554432xf32, #tpu.memory_space<hbm>> -> memref<8192xf32, #tpu.memory_space<hbm>>
    %dma_start3A_45 = tpu.memref_slice %arg2[%mul3A_43] : memref<33554432xf32, #tpu.memory_space<hbm>> -> memref<8192xf32, #tpu.memory_space<hbm>>
    tpu.enqueue_dma source(%dma_start3A_45 : memref<8192xf32, #tpu.memory_space<hbm>>) target(%arg8 : memref<8192xf32, #tpu.memory_space<vmem>>) target_semaphore(%arg18 : memref<!tpu.dma_semaphore, #tpu.memory_space<semaphore_mem>>)
    %add3A_46 = arith.constant 0 : i32
    %add3A_47 = arith.addi %add3A_46, %mul3A_2 : i32
    %add3A_48 = arith.constant 4 : i32
    %add3A_49 = arith.addi %add3A_47, %add3A_48 : i32
    %mul3A_50 = arith.constant 2048 : i32
    %mul3A_51 = arith.muli %add3A_49, %mul3A_50 : i32
    %dma_start3A_52 = tpu.memref_slice %arg2[%mul3A_51] : memref<33554432xf32, #tpu.memory_space<hbm>> -> memref<8192xf32, #tpu.memory_space<hbm>>
    %dma_start3A_53 = tpu.memref_slice %arg2[%mul3A_51] : memref<33554432xf32, #tpu.memory_space<hbm>> -> memref<8192xf32, #tpu.memory_space<hbm>>
    tpu.enqueue_dma source(%dma_start3A_53 : memref<8192xf32, #tpu.memory_space<hbm>>) target(%arg9 : memref<8192xf32, #tpu.memory_space<vmem>>) target_semaphore(%arg19 : memref<!tpu.dma_semaphore, #tpu.memory_space<semaphore_mem>>)
    %scan3A = arith.constant 0 : i32
    %scan3A_54 = arith.constant 0 : i32
    %scan3A_55 = arith.constant 16 : i32
    %scan3A_56 = arith.addi %scan3A_54, %scan3A_55 : i32
    %scan3A_57 = arith.constant 1 : i32
    scf.for %scan3A_90 = %scan3A_54 to %scan3A_56 step %scan3A_57  : i32 {
      %gt3A = arith.constant 0 : i32
      %gt3A_91 = arith.cmpi sgt, %scan3A_90, %gt3A : i32
      %convert_element_type3A = arith.extui %gt3A_91 : i1 to i32
      %cond3A = arith.constant 0 : i32
      %cond3A_92 = arith.cmpi ne, %convert_element_type3A, %cond3A : i32
      scf.if %cond3A_92 {
        %dma_wait3A_357 = arith.constant 0 : i32
        %dma_wait3A_358 = tpu.memref_slice %arg4[%dma_wait3A_357] : memref<33554432xf32, #tpu.memory_space<hbm>> -> memref<8192xf32, #tpu.memory_space<hbm>>
        %dma_wait3A_359 = arith.constant 0 : i32
        %dma_wait3A_360 = tpu.memref_slice %arg4[%dma_wait3A_359] : memref<33554432xf32, #tpu.memory_space<hbm>> -> memref<8192xf32, #tpu.memory_space<hbm>>
        tpu.wait_dma2 semaphore(%arg30 : memref<!tpu.dma_semaphore, #tpu.memory_space<semaphore_mem>>) src(%arg10 : memref<8192xf32, #tpu.memory_space<vmem>>) dst(%dma_wait3A_360 : memref<8192xf32, #tpu.memory_space<hbm>>)
      } else {
      }
      %mul3A_93 = arith.constant 2 : i32
      %mul3A_94 = arith.muli %mul3A_93, %scan3A_90 : i32
      %add3A_95 = arith.constant 1 : i32
      %add3A_96 = arith.addi %mul3A_94, %add3A_95 : i32
      %add3A_97 = arith.constant 4096 : i32
      %add3A_98 = arith.addi %add3A_97, %mul3A_2 : i32
      %mul3A_99 = arith.constant 4 : i32
      %mul3A_100 = arith.muli %add3A_96, %mul3A_99 : i32
      %add3A_101 = arith.addi %add3A_98, %mul3A_100 : i32
      %mul3A_102 = arith.constant 2048 : i32
      %mul3A_103 = arith.muli %add3A_101, %mul3A_102 : i32
      %dma_start3A_104 = tpu.memref_slice %arg2[%mul3A_103] : memref<33554432xf32, #tpu.memory_space<hbm>> -> memref<8192xf32, #tpu.memory_space<hbm>>
      %dma_start3A_105 = tpu.memref_slice %arg2[%mul3A_103] : memref<33554432xf32, #tpu.memory_space<hbm>> -> memref<8192xf32, #tpu.memory_space<hbm>>
      tpu.enqueue_dma source(%dma_start3A_105 : memref<8192xf32, #tpu.memory_space<hbm>>) target(%arg10 : memref<8192xf32, #tpu.memory_space<vmem>>) target_semaphore(%arg20 : memref<!tpu.dma_semaphore, #tpu.memory_space<semaphore_mem>>)
      %dma_wait3A_106 = arith.constant 0 : i32
      %dma_wait3A_107 = tpu.memref_slice %arg3[%dma_wait3A_106] : memref<8388608xf32, #tpu.memory_space<hbm>> -> memref<8192xf32, #tpu.memory_space<hbm>>
      %dma_wait3A_108 = arith.constant 0 : i32
      %dma_wait3A_109 = tpu.memref_slice %arg3[%dma_wait3A_108] : memref<8388608xf32, #tpu.memory_space<hbm>> -> memref<8192xf32, #tpu.memory_space<hbm>>
      tpu.wait_dma2 semaphore(%arg23 : memref<!tpu.dma_semaphore, #tpu.memory_space<semaphore_mem>>) src(%dma_wait3A_109 : memref<8192xf32, #tpu.memory_space<hbm>>) dst(%arg13 : memref<8192xf32, #tpu.memory_space<vmem>>)
      %dma_wait3A_110 = arith.constant 0 : i32
      %dma_wait3A_111 = tpu.memref_slice %arg2[%dma_wait3A_110] : memref<33554432xf32, #tpu.memory_space<hbm>> -> memref<8192xf32, #tpu.memory_space<hbm>>
      %dma_wait3A_112 = arith.constant 0 : i32
      %dma_wait3A_113 = tpu.memref_slice %arg2[%dma_wait3A_112] : memref<33554432xf32, #tpu.memory_space<hbm>> -> memref<8192xf32, #tpu.memory_space<hbm>>
      tpu.wait_dma2 semaphore(%arg15 : memref<!tpu.dma_semaphore, #tpu.memory_space<semaphore_mem>>) src(%dma_wait3A_113 : memref<8192xf32, #tpu.memory_space<hbm>>) dst(%arg5 : memref<8192xf32, #tpu.memory_space<vmem>>)
      %parallel_loop3A = arith.constant 0 : i32
      %parallel_loop3A_114 = arith.constant 8192 : i32
      %parallel_loop3A_115 = arith.constant 64 : i32
      scf.for %parallel_loop3A_357 = %parallel_loop3A to %parallel_loop3A_114 step %parallel_loop3A_115  : i32 {
        %parallel_loop3A_358 = arith.constant 0 : i32
        %parallel_loop3A_359 = arith.addi %parallel_loop3A_357, %parallel_loop3A_358 : i32
        %parallel_loop3A_360 = arith.index_cast %parallel_loop3A_359 : i32 to index
        %parallel_loop3A_361 = tpu.vector_load %arg5[%parallel_loop3A_360] {strides = array<i32>} : memref<8192xf32, #tpu.memory_space<vmem>>, vector<16xf32>,
        %parallel_loop3A_362 = vector.shape_cast %parallel_loop3A_361 : vector<16xf32> to vector<16xf32>
        %parallel_loop3A_363 = arith.index_cast %parallel_loop3A_359 : i32 to index
        %parallel_loop3A_364 = tpu.vector_load %arg13[%parallel_loop3A_363] {strides = array<i32>} : memref<8192xf32, #tpu.memory_space<vmem>>, vector<16xf32>,
        %parallel_loop3A_365 = vector.shape_cast %parallel_loop3A_364 : vector<16xf32> to vector<16xf32>
        %parallel_loop3A_366 = arith.addf %parallel_loop3A_362, %parallel_loop3A_365 : vector<16xf32>
        %parallel_loop3A_367 = arith.index_cast %parallel_loop3A_359 : i32 to index
        %parallel_loop3A_368 = tpu.vector_load %arg5[%parallel_loop3A_367] {strides = array<i32>} : memref<8192xf32, #tpu.memory_space<vmem>>, vector<16xf32>,
        %parallel_loop3A_369 = vector.shape_cast %parallel_loop3A_368 : vector<16xf32> to vector<16xf32>
        %parallel_loop3A_370 = vector.shape_cast %parallel_loop3A_366 : vector<16xf32> to vector<16xf32>
        tpu.vector_store %arg5[%parallel_loop3A_367], %parallel_loop3A_370 {strides = array<i32>} : memref<8192xf32, #tpu.memory_space<vmem>>, vector<16xf32>,
        %parallel_loop3A_371 = arith.constant 16 : i32
        %parallel_loop3A_372 = arith.addi %parallel_loop3A_357, %parallel_loop3A_371 : i32
        %parallel_loop3A_373 = arith.index_cast %parallel_loop3A_372 : i32 to index
        %parallel_loop3A_374 = tpu.vector_load %arg5[%parallel_loop3A_373] {strides = array<i32>} : memref<8192xf32, #tpu.memory_space<vmem>>, vector<16xf32>,
        %parallel_loop3A_375 = vector.shape_cast %parallel_loop3A_374 : vector<16xf32> to vector<16xf32>
        %parallel_loop3A_376 = arith.index_cast %parallel_loop3A_372 : i32 to index
        %parallel_loop3A_377 = tpu.vector_load %arg13[%parallel_loop3A_376] {strides = array<i32>} : memref<8192xf32, #tpu.memory_space<vmem>>, vector<16xf32>,
        %parallel_loop3A_378 = vector.shape_cast %parallel_loop3A_377 : vector<16xf32> to vector<16xf32>
        %parallel_loop3A_379 = arith.addf %parallel_loop3A_375, %parallel_loop3A_378 : vector<16xf32>
        %parallel_loop3A_380 = arith.index_cast %parallel_loop3A_372 : i32 to index
        %parallel_loop3A_381 = tpu.vector_load %arg5[%parallel_loop3A_380] {strides = array<i32>} : memref<8192xf32, #tpu.memory_space<vmem>>, vector<16xf32>,
        %parallel_loop3A_382 = vector.shape_cast %parallel_loop3A_381 : vector<16xf32> to vector<16xf32>
        %parallel_loop3A_383 = vector.shape_cast %parallel_loop3A_379 : vector<16xf32> to vector<16xf32>
        tpu.vector_store %arg5[%parallel_loop3A_380], %parallel_loop3A_383 {strides = array<i32>} : memref<8192xf32, #tpu.memory_space<vmem>>, vector<16xf32>,
        %parallel_loop3A_384 = arith.constant 32 : i32
        %parallel_loop3A_385 = arith.addi %parallel_loop3A_357, %parallel_loop3A_384 : i32
        %parallel_loop3A_386 = arith.index_cast %parallel_loop3A_385 : i32 to index
        %parallel_loop3A_387 = tpu.vector_load %arg5[%parallel_loop3A_386] {strides = array<i32>} : memref<8192xf32, #tpu.memory_space<vmem>>, vector<16xf32>,
        %parallel_loop3A_388 = vector.shape_cast %parallel_loop3A_387 : vector<16xf32> to vector<16xf32>
        %parallel_loop3A_389 = arith.index_cast %parallel_loop3A_385 : i32 to index
        %parallel_loop3A_390 = tpu.vector_load %arg13[%parallel_loop3A_389] {strides = array<i32>} : memref<8192xf32, #tpu.memory_space<vmem>>, vector<16xf32>,
        %parallel_loop3A_391 = vector.shape_cast %parallel_loop3A_390 : vector<16xf32> to vector<16xf32>
        %parallel_loop3A_392 = arith.addf %parallel_loop3A_388, %parallel_loop3A_391 : vector<16xf32>
        %parallel_loop3A_393 = arith.index_cast %parallel_loop3A_385 : i32 to index
        %parallel_loop3A_394 = tpu.vector_load %arg5[%parallel_loop3A_393] {strides = array<i32>} : memref<8192xf32, #tpu.memory_space<vmem>>, vector<16xf32>,
        %parallel_loop3A_395 = vector.shape_cast %parallel_loop3A_394 : vector<16xf32> to vector<16xf32>
        %parallel_loop3A_396 = vector.shape_cast %parallel_loop3A_392 : vector<16xf32> to vector<16xf32>
        tpu.vector_store %arg5[%parallel_loop3A_393], %parallel_loop3A_396 {strides = array<i32>} : memref<8192xf32, #tpu.memory_space<vmem>>, vector<16xf32>,
        %parallel_loop3A_397 = arith.constant 48 : i32
        %parallel_loop3A_398 = arith.addi %parallel_loop3A_357, %parallel_loop3A_397 : i32
        %parallel_loop3A_399 = arith.index_cast %parallel_loop3A_398 : i32 to index
        %parallel_loop3A_400 = tpu.vector_load %arg5[%parallel_loop3A_399] {strides = array<i32>} : memref<8192xf32, #tpu.memory_space<vmem>>, vector<16xf32>,
        %parallel_loop3A_401 = vector.shape_cast %parallel_loop3A_400 : vector<16xf32> to vector<16xf32>
        %parallel_loop3A_402 = arith.index_cast %parallel_loop3A_398 : i32 to index
        %parallel_loop3A_403 = tpu.vector_load %arg13[%parallel_loop3A_402] {strides = array<i32>} : memref<8192xf32, #tpu.memory_space<vmem>>, vector<16xf32>,
        %parallel_loop3A_404 = vector.shape_cast %parallel_loop3A_403 : vector<16xf32> to vector<16xf32>
        %parallel_loop3A_405 = arith.addf %parallel_loop3A_401, %parallel_loop3A_404 : vector<16xf32>
        %parallel_loop3A_406 = arith.index_cast %parallel_loop3A_398 : i32 to index
        %parallel_loop3A_407 = tpu.vector_load %arg5[%parallel_loop3A_406] {strides = array<i32>} : memref<8192xf32, #tpu.memory_space<vmem>>, vector<16xf32>,
        %parallel_loop3A_408 = vector.shape_cast %parallel_loop3A_407 : vector<16xf32> to vector<16xf32>
        %parallel_loop3A_409 = vector.shape_cast %parallel_loop3A_405 : vector<16xf32> to vector<16xf32>
        tpu.vector_store %arg5[%parallel_loop3A_406], %parallel_loop3A_409 {strides = array<i32>} : memref<8192xf32, #tpu.memory_space<vmem>>, vector<16xf32>,
      } {sc.loop_unroll_factor = 2 : i64, sc.parallel_access}
      %mul3A_116 = arith.constant 2 : i32
      %mul3A_117 = arith.muli %mul3A_116, %scan3A_90 : i32
      %add3A_118 = arith.constant 0 : i32
      %add3A_119 = arith.addi %mul3A_117, %add3A_118 : i32
      %add3A_120 = arith.constant 0 : i32
      %add3A_121 = arith.addi %add3A_120, %mul3A_2 : i32
      %mul3A_122 = arith.constant 4 : i32
      %mul3A_123 = arith.muli %add3A_119, %mul3A_122 : i32
      %add3A_124 = arith.addi %add3A_121, %mul3A_123 : i32
      %mul3A_125 = arith.constant 2048 : i32
      %mul3A_126 = arith.muli %add3A_124, %mul3A_125 : i32
      %dma_start3A_127 = tpu.memref_slice %arg4[%mul3A_126] : memref<33554432xf32, #tpu.memory_space<hbm>> -> memref<8192xf32, #tpu.memory_space<hbm>>
      %dma_start3A_128 = tpu.memref_slice %arg4[%mul3A_126] : memref<33554432xf32, #tpu.memory_space<hbm>> -> memref<8192xf32, #tpu.memory_space<hbm>>
      tpu.enqueue_dma source(%arg5 : memref<8192xf32, #tpu.memory_space<vmem>>) target(%dma_start3A_128 : memref<8192xf32, #tpu.memory_space<hbm>>) target_semaphore(%arg25 : memref<!tpu.dma_semaphore, #tpu.memory_space<semaphore_mem>>)
      %gt3A_129 = arith.constant 0 : i32
      %gt3A_130 = arith.cmpi sgt, %scan3A_90, %gt3A_129 : i32
      %convert_element_type3A_131 = arith.extui %gt3A_130 : i1 to i32
      %cond3A_132 = arith.constant 0 : i32
      %cond3A_133 = arith.cmpi ne, %convert_element_type3A_131, %cond3A_132 : i32
      scf.if %cond3A_133 {
        %dma_wait3A_357 = arith.constant 0 : i32
        %dma_wait3A_358 = tpu.memref_slice %arg4[%dma_wait3A_357] : memref<33554432xf32, #tpu.memory_space<hbm>> -> memref<8192xf32, #tpu.memory_space<hbm>>
        %dma_wait3A_359 = arith.constant 0 : i32
        %dma_wait3A_360 = tpu.memref_slice %arg4[%dma_wait3A_359] : memref<33554432xf32, #tpu.memory_space<hbm>> -> memref<8192xf32, #tpu.memory_space<hbm>>
        tpu.wait_dma2 semaphore(%arg31 : memref<!tpu.dma_semaphore, #tpu.memory_space<semaphore_mem>>) src(%arg11 : memref<8192xf32, #tpu.memory_space<vmem>>) dst(%dma_wait3A_360 : memref<8192xf32, #tpu.memory_space<hbm>>)
      } else {
      }
      %mul3A_134 = arith.constant 2 : i32
      %mul3A_135 = arith.muli %mul3A_134, %scan3A_90 : i32
      %add3A_136 = arith.constant 1 : i32
      %add3A_137 = arith.addi %mul3A_135, %add3A_136 : i32
      %add3A_138 = arith.constant 8192 : i32
      %add3A_139 = arith.addi %add3A_138, %mul3A_2 : i32
      %mul3A_140 = arith.constant 4 : i32
      %mul3A_141 = arith.muli %add3A_137, %mul3A_140 : i32
      %add3A_142 = arith.addi %add3A_139, %mul3A_141 : i32
      %mul3A_143 = arith.constant 2048 : i32
      %mul3A_144 = arith.muli %add3A_142, %mul3A_143 : i32
      %dma_start3A_145 = tpu.memref_slice %arg2[%mul3A_144] : memref<33554432xf32, #tpu.memory_space<hbm>> -> memref<8192xf32, #tpu.memory_space<hbm>>
      %dma_start3A_146 = tpu.memref_slice %arg2[%mul3A_144] : memref<33554432xf32, #tpu.memory_space<hbm>> -> memref<8192xf32, #tpu.memory_space<hbm>>
      tpu.enqueue_dma source(%dma_start3A_146 : memref<8192xf32, #tpu.memory_space<hbm>>) target(%arg11 : memref<8192xf32, #tpu.memory_space<vmem>>) target_semaphore(%arg21 : memref<!tpu.dma_semaphore, #tpu.memory_space<semaphore_mem>>)
      %dma_wait3A_147 = arith.constant 0 : i32
      %dma_wait3A_148 = tpu.memref_slice %arg2[%dma_wait3A_147] : memref<33554432xf32, #tpu.memory_space<hbm>> -> memref<8192xf32, #tpu.memory_space<hbm>>
      %dma_wait3A_149 = arith.constant 0 : i32
      %dma_wait3A_150 = tpu.memref_slice %arg2[%dma_wait3A_149] : memref<33554432xf32, #tpu.memory_space<hbm>> -> memref<8192xf32, #tpu.memory_space<hbm>>
      tpu.wait_dma2 semaphore(%arg16 : memref<!tpu.dma_semaphore, #tpu.memory_space<semaphore_mem>>) src(%dma_wait3A_150 : memref<8192xf32, #tpu.memory_space<hbm>>) dst(%arg6 : memref<8192xf32, #tpu.memory_space<vmem>>)
      %parallel_loop3A_151 = arith.constant 0 : i32
      %parallel_loop3A_152 = arith.constant 8192 : i32
      %parallel_loop3A_153 = arith.constant 64 : i32
      scf.for %parallel_loop3A_357 = %parallel_loop3A_151 to %parallel_loop3A_152 step %parallel_loop3A_153  : i32 {
        %parallel_loop3A_358 = arith.constant 0 : i32
        %parallel_loop3A_359 = arith.addi %parallel_loop3A_357, %parallel_loop3A_358 : i32
        %parallel_loop3A_360 = arith.index_cast %parallel_loop3A_359 : i32 to index
        %parallel_loop3A_361 = tpu.vector_load %arg6[%parallel_loop3A_360] {strides = array<i32>} : memref<8192xf32, #tpu.memory_space<vmem>>, vector<16xf32>,
        %parallel_loop3A_362 = vector.shape_cast %parallel_loop3A_361 : vector<16xf32> to vector<16xf32>
        %parallel_loop3A_363 = arith.index_cast %parallel_loop3A_359 : i32 to index
        %parallel_loop3A_364 = tpu.vector_load %arg13[%parallel_loop3A_363] {strides = array<i32>} : memref<8192xf32, #tpu.memory_space<vmem>>, vector<16xf32>,
        %parallel_loop3A_365 = vector.shape_cast %parallel_loop3A_364 : vector<16xf32> to vector<16xf32>
        %parallel_loop3A_366 = arith.addf %parallel_loop3A_362, %parallel_loop3A_365 : vector<16xf32>
        %parallel_loop3A_367 = arith.index_cast %parallel_loop3A_359 : i32 to index
        %parallel_loop3A_368 = tpu.vector_load %arg6[%parallel_loop3A_367] {strides = array<i32>} : memref<8192xf32, #tpu.memory_space<vmem>>, vector<16xf32>,
        %parallel_loop3A_369 = vector.shape_cast %parallel_loop3A_368 : vector<16xf32> to vector<16xf32>
        %parallel_loop3A_370 = vector.shape_cast %parallel_loop3A_366 : vector<16xf32> to vector<16xf32>
        tpu.vector_store %arg6[%parallel_loop3A_367], %parallel_loop3A_370 {strides = array<i32>} : memref<8192xf32, #tpu.memory_space<vmem>>, vector<16xf32>,
        %parallel_loop3A_371 = arith.constant 16 : i32
        %parallel_loop3A_372 = arith.addi %parallel_loop3A_357, %parallel_loop3A_371 : i32
        %parallel_loop3A_373 = arith.index_cast %parallel_loop3A_372 : i32 to index
        %parallel_loop3A_374 = tpu.vector_load %arg6[%parallel_loop3A_373] {strides = array<i32>} : memref<8192xf32, #tpu.memory_space<vmem>>, vector<16xf32>,
        %parallel_loop3A_375 = vector.shape_cast %parallel_loop3A_374 : vector<16xf32> to vector<16xf32>
        %parallel_loop3A_376 = arith.index_cast %parallel_loop3A_372 : i32 to index
        %parallel_loop3A_377 = tpu.vector_load %arg13[%parallel_loop3A_376] {strides = array<i32>} : memref<8192xf32, #tpu.memory_space<vmem>>, vector<16xf32>,
        %parallel_loop3A_378 = vector.shape_cast %parallel_loop3A_377 : vector<16xf32> to vector<16xf32>
        %parallel_loop3A_379 = arith.addf %parallel_loop3A_375, %parallel_loop3A_378 : vector<16xf32>
        %parallel_loop3A_380 = arith.index_cast %parallel_loop3A_372 : i32 to index
        %parallel_loop3A_381 = tpu.vector_load %arg6[%parallel_loop3A_380] {strides = array<i32>} : memref<8192xf32, #tpu.memory_space<vmem>>, vector<16xf32>,
        %parallel_loop3A_382 = vector.shape_cast %parallel_loop3A_381 : vector<16xf32> to vector<16xf32>
        %parallel_loop3A_383 = vector.shape_cast %parallel_loop3A_379 : vector<16xf32> to vector<16xf32>
        tpu.vector_store %arg6[%parallel_loop3A_380], %parallel_loop3A_383 {strides = array<i32>} : memref<8192xf32, #tpu.memory_space<vmem>>, vector<16xf32>,
        %parallel_loop3A_384 = arith.constant 32 : i32
        %parallel_loop3A_385 = arith.addi %parallel_loop3A_357, %parallel_loop3A_384 : i32
        %parallel_loop3A_386 = arith.index_cast %parallel_loop3A_385 : i32 to index
        %parallel_loop3A_387 = tpu.vector_load %arg6[%parallel_loop3A_386] {strides = array<i32>} : memref<8192xf32, #tpu.memory_space<vmem>>, vector<16xf32>,
        %parallel_loop3A_388 = vector.shape_cast %parallel_loop3A_387 : vector<16xf32> to vector<16xf32>
        %parallel_loop3A_389 = arith.index_cast %parallel_loop3A_385 : i32 to index
        %parallel_loop3A_390 = tpu.vector_load %arg13[%parallel_loop3A_389] {strides = array<i32>} : memref<8192xf32, #tpu.memory_space<vmem>>, vector<16xf32>,
        %parallel_loop3A_391 = vector.shape_cast %parallel_loop3A_390 : vector<16xf32> to vector<16xf32>
        %parallel_loop3A_392 = arith.addf %parallel_loop3A_388, %parallel_loop3A_391 : vector<16xf32>
        %parallel_loop3A_393 = arith.index_cast %parallel_loop3A_385 : i32 to index
        %parallel_loop3A_394 = tpu.vector_load %arg6[%parallel_loop3A_393] {strides = array<i32>} : memref<8192xf32, #tpu.memory_space<vmem>>, vector<16xf32>,
        %parallel_loop3A_395 = vector.shape_cast %parallel_loop3A_394 : vector<16xf32> to vector<16xf32>
        %parallel_loop3A_396 = vector.shape_cast %parallel_loop3A_392 : vector<16xf32> to vector<16xf32>
        tpu.vector_store %arg6[%parallel_loop3A_393], %parallel_loop3A_396 {strides = array<i32>} : memref<8192xf32, #tpu.memory_space<vmem>>, vector<16xf32>,
        %parallel_loop3A_397 = arith.constant 48 : i32
        %parallel_loop3A_398 = arith.addi %parallel_loop3A_357, %parallel_loop3A_397 : i32
        %parallel_loop3A_399 = arith.index_cast %parallel_loop3A_398 : i32 to index
        %parallel_loop3A_400 = tpu.vector_load %arg6[%parallel_loop3A_399] {strides = array<i32>} : memref<8192xf32, #tpu.memory_space<vmem>>, vector<16xf32>,
        %parallel_loop3A_401 = vector.shape_cast %parallel_loop3A_400 : vector<16xf32> to vector<16xf32>
        %parallel_loop3A_402 = arith.index_cast %parallel_loop3A_398 : i32 to index
        %parallel_loop3A_403 = tpu.vector_load %arg13[%parallel_loop3A_402] {strides = array<i32>} : memref<8192xf32, #tpu.memory_space<vmem>>, vector<16xf32>,
        %parallel_loop3A_404 = vector.shape_cast %parallel_loop3A_403 : vector<16xf32> to vector<16xf32>
        %parallel_loop3A_405 = arith.addf %parallel_loop3A_401, %parallel_loop3A_404 : vector<16xf32>
        %parallel_loop3A_406 = arith.index_cast %parallel_loop3A_398 : i32 to index
        %parallel_loop3A_407 = tpu.vector_load %arg6[%parallel_loop3A_406] {strides = array<i32>} : memref<8192xf32, #tpu.memory_space<vmem>>, vector<16xf32>,
        %parallel_loop3A_408 = vector.shape_cast %parallel_loop3A_407 : vector<16xf32> to vector<16xf32>
        %parallel_loop3A_409 = vector.shape_cast %parallel_loop3A_405 : vector<16xf32> to vector<16xf32>
        tpu.vector_store %arg6[%parallel_loop3A_406], %parallel_loop3A_409 {strides = array<i32>} : memref<8192xf32, #tpu.memory_space<vmem>>, vector<16xf32>,
      } {sc.loop_unroll_factor = 2 : i64, sc.parallel_access}
      %mul3A_154 = arith.constant 2 : i32
      %mul3A_155 = arith.muli %mul3A_154, %scan3A_90 : i32
      %add3A_156 = arith.constant 0 : i32
      %add3A_157 = arith.addi %mul3A_155, %add3A_156 : i32
      %add3A_158 = arith.constant 4096 : i32
      %add3A_159 = arith.addi %add3A_158, %mul3A_2 : i32
      %mul3A_160 = arith.constant 4 : i32
      %mul3A_161 = arith.muli %add3A_157, %mul3A_160 : i32
      %add3A_162 = arith.addi %add3A_159, %mul3A_161 : i32
      %mul3A_163 = arith.constant 2048 : i32
      %mul3A_164 = arith.muli %add3A_162, %mul3A_163 : i32
      %dma_start3A_165 = tpu.memref_slice %arg4[%mul3A_164] : memref<33554432xf32, #tpu.memory_space<hbm>> -> memref<8192xf32, #tpu.memory_space<hbm>>
      %dma_start3A_166 = tpu.memref_slice %arg4[%mul3A_164] : memref<33554432xf32, #tpu.memory_space<hbm>> -> memref<8192xf32, #tpu.memory_space<hbm>>
      tpu.enqueue_dma source(%arg6 : memref<8192xf32, #tpu.memory_space<vmem>>) target(%dma_start3A_166 : memref<8192xf32, #tpu.memory_space<hbm>>) target_semaphore(%arg26 : memref<!tpu.dma_semaphore, #tpu.memory_space<semaphore_mem>>)
      %gt3A_167 = arith.constant 0 : i32
      %gt3A_168 = arith.cmpi sgt, %scan3A_90, %gt3A_167 : i32
      %convert_element_type3A_169 = arith.extui %gt3A_168 : i1 to i32
      %cond3A_170 = arith.constant 0 : i32
      %cond3A_171 = arith.cmpi ne, %convert_element_type3A_169, %cond3A_170 : i32
      scf.if %cond3A_171 {
        %dma_wait3A_357 = arith.constant 0 : i32
        %dma_wait3A_358 = tpu.memref_slice %arg4[%dma_wait3A_357] : memref<33554432xf32, #tpu.memory_space<hbm>> -> memref<8192xf32, #tpu.memory_space<hbm>>
        %dma_wait3A_359 = arith.constant 0 : i32
        %dma_wait3A_360 = tpu.memref_slice %arg4[%dma_wait3A_359] : memref<33554432xf32, #tpu.memory_space<hbm>> -> memref<8192xf32, #tpu.memory_space<hbm>>
        tpu.wait_dma2 semaphore(%arg32 : memref<!tpu.dma_semaphore, #tpu.memory_space<semaphore_mem>>) src(%arg12 : memref<8192xf32, #tpu.memory_space<vmem>>) dst(%dma_wait3A_360 : memref<8192xf32, #tpu.memory_space<hbm>>)
      } else {
      }
      %mul3A_172 = arith.constant 2 : i32
      %mul3A_173 = arith.muli %mul3A_172, %scan3A_90 : i32
      %add3A_174 = arith.constant 1 : i32
      %add3A_175 = arith.addi %mul3A_173, %add3A_174 : i32
      %add3A_176 = arith.constant 12288 : i32
      %add3A_177 = arith.addi %add3A_176, %mul3A_2 : i32
      %mul3A_178 = arith.constant 4 : i32
      %mul3A_179 = arith.muli %add3A_175, %mul3A_178 : i32
      %add3A_180 = arith.addi %add3A_177, %mul3A_179 : i32
      %mul3A_181 = arith.constant 2048 : i32
      %mul3A_182 = arith.muli %add3A_180, %mul3A_181 : i32
      %dma_start3A_183 = tpu.memref_slice %arg2[%mul3A_182] : memref<33554432xf32, #tpu.memory_space<hbm>> -> memref<8192xf32, #tpu.memory_space<hbm>>
      %dma_start3A_184 = tpu.memref_slice %arg2[%mul3A_182] : memref<33554432xf32, #tpu.memory_space<hbm>> -> memref<8192xf32, #tpu.memory_space<hbm>>
      tpu.enqueue_dma source(%dma_start3A_184 : memref<8192xf32, #tpu.memory_space<hbm>>) target(%arg12 : memref<8192xf32, #tpu.memory_space<vmem>>) target_semaphore(%arg22 : memref<!tpu.dma_semaphore, #tpu.memory_space<semaphore_mem>>)
      %dma_wait3A_185 = arith.constant 0 : i32
      %dma_wait3A_186 = tpu.memref_slice %arg2[%dma_wait3A_185] : memref<33554432xf32, #tpu.memory_space<hbm>> -> memref<8192xf32, #tpu.memory_space<hbm>>
      %dma_wait3A_187 = arith.constant 0 : i32
      %dma_wait3A_188 = tpu.memref_slice %arg2[%dma_wait3A_187] : memref<33554432xf32, #tpu.memory_space<hbm>> -> memref<8192xf32, #tpu.memory_space<hbm>>
      tpu.wait_dma2 semaphore(%arg17 : memref<!tpu.dma_semaphore, #tpu.memory_space<semaphore_mem>>) src(%dma_wait3A_188 : memref<8192xf32, #tpu.memory_space<hbm>>) dst(%arg7 : memref<8192xf32, #tpu.memory_space<vmem>>)
      %parallel_loop3A_189 = arith.constant 0 : i32
      %parallel_loop3A_190 = arith.constant 8192 : i32
      %parallel_loop3A_191 = arith.constant 64 : i32
      scf.for %parallel_loop3A_357 = %parallel_loop3A_189 to %parallel_loop3A_190 step %parallel_loop3A_191  : i32 {
        %parallel_loop3A_358 = arith.constant 0 : i32
        %parallel_loop3A_359 = arith.addi %parallel_loop3A_357, %parallel_loop3A_358 : i32
        %parallel_loop3A_360 = arith.index_cast %parallel_loop3A_359 : i32 to index
        %parallel_loop3A_361 = tpu.vector_load %arg7[%parallel_loop3A_360] {strides = array<i32>} : memref<8192xf32, #tpu.memory_space<vmem>>, vector<16xf32>,
        %parallel_loop3A_362 = vector.shape_cast %parallel_loop3A_361 : vector<16xf32> to vector<16xf32>
        %parallel_loop3A_363 = arith.index_cast %parallel_loop3A_359 : i32 to index
        %parallel_loop3A_364 = tpu.vector_load %arg13[%parallel_loop3A_363] {strides = array<i32>} : memref<8192xf32, #tpu.memory_space<vmem>>, vector<16xf32>,
        %parallel_loop3A_365 = vector.shape_cast %parallel_loop3A_364 : vector<16xf32> to vector<16xf32>
        %parallel_loop3A_366 = arith.addf %parallel_loop3A_362, %parallel_loop3A_365 : vector<16xf32>
        %parallel_loop3A_367 = arith.index_cast %parallel_loop3A_359 : i32 to index
        %parallel_loop3A_368 = tpu.vector_load %arg7[%parallel_loop3A_367] {strides = array<i32>} : memref<8192xf32, #tpu.memory_space<vmem>>, vector<16xf32>,
        %parallel_loop3A_369 = vector.shape_cast %parallel_loop3A_368 : vector<16xf32> to vector<16xf32>
        %parallel_loop3A_370 = vector.shape_cast %parallel_loop3A_366 : vector<16xf32> to vector<16xf32>
        tpu.vector_store %arg7[%parallel_loop3A_367], %parallel_loop3A_370 {strides = array<i32>} : memref<8192xf32, #tpu.memory_space<vmem>>, vector<16xf32>,
        %parallel_loop3A_371 = arith.constant 16 : i32
        %parallel_loop3A_372 = arith.addi %parallel_loop3A_357, %parallel_loop3A_371 : i32
        %parallel_loop3A_373 = arith.index_cast %parallel_loop3A_372 : i32 to index
        %parallel_loop3A_374 = tpu.vector_load %arg7[%parallel_loop3A_373] {strides = array<i32>} : memref<8192xf32, #tpu.memory_space<vmem>>, vector<16xf32>,
        %parallel_loop3A_375 = vector.shape_cast %parallel_loop3A_374 : vector<16xf32> to vector<16xf32>
        %parallel_loop3A_376 = arith.index_cast %parallel_loop3A_372 : i32 to index
        %parallel_loop3A_377 = tpu.vector_load %arg13[%parallel_loop3A_376] {strides = array<i32>} : memref<8192xf32, #tpu.memory_space<vmem>>, vector<16xf32>,
        %parallel_loop3A_378 = vector.shape_cast %parallel_loop3A_377 : vector<16xf32> to vector<16xf32>
        %parallel_loop3A_379 = arith.addf %parallel_loop3A_375, %parallel_loop3A_378 : vector<16xf32>
        %parallel_loop3A_380 = arith.index_cast %parallel_loop3A_372 : i32 to index
        %parallel_loop3A_381 = tpu.vector_load %arg7[%parallel_loop3A_380] {strides = array<i32>} : memref<8192xf32, #tpu.memory_space<vmem>>, vector<16xf32>,
        %parallel_loop3A_382 = vector.shape_cast %parallel_loop3A_381 : vector<16xf32> to vector<16xf32>
        %parallel_loop3A_383 = vector.shape_cast %parallel_loop3A_379 : vector<16xf32> to vector<16xf32>
        tpu.vector_store %arg7[%parallel_loop3A_380], %parallel_loop3A_383 {strides = array<i32>} : memref<8192xf32, #tpu.memory_space<vmem>>, vector<16xf32>,
        %parallel_loop3A_384 = arith.constant 32 : i32
        %parallel_loop3A_385 = arith.addi %parallel_loop3A_357, %parallel_loop3A_384 : i32
        %parallel_loop3A_386 = arith.index_cast %parallel_loop3A_385 : i32 to index
        %parallel_loop3A_387 = tpu.vector_load %arg7[%parallel_loop3A_386] {strides = array<i32>} : memref<8192xf32, #tpu.memory_space<vmem>>, vector<16xf32>,
        %parallel_loop3A_388 = vector.shape_cast %parallel_loop3A_387 : vector<16xf32> to vector<16xf32>
        %parallel_loop3A_389 = arith.index_cast %parallel_loop3A_385 : i32 to index
        %parallel_loop3A_390 = tpu.vector_load %arg13[%parallel_loop3A_389] {strides = array<i32>} : memref<8192xf32, #tpu.memory_space<vmem>>, vector<16xf32>,
        %parallel_loop3A_391 = vector.shape_cast %parallel_loop3A_390 : vector<16xf32> to vector<16xf32>
        %parallel_loop3A_392 = arith.addf %parallel_loop3A_388, %parallel_loop3A_391 : vector<16xf32>
        %parallel_loop3A_393 = arith.index_cast %parallel_loop3A_385 : i32 to index
        %parallel_loop3A_394 = tpu.vector_load %arg7[%parallel_loop3A_393] {strides = array<i32>} : memref<8192xf32, #tpu.memory_space<vmem>>, vector<16xf32>,
        %parallel_loop3A_395 = vector.shape_cast %parallel_loop3A_394 : vector<16xf32> to vector<16xf32>
        %parallel_loop3A_396 = vector.shape_cast %parallel_loop3A_392 : vector<16xf32> to vector<16xf32>
        tpu.vector_store %arg7[%parallel_loop3A_393], %parallel_loop3A_396 {strides = array<i32>} : memref<8192xf32, #tpu.memory_space<vmem>>, vector<16xf32>,
        %parallel_loop3A_397 = arith.constant 48 : i32
        %parallel_loop3A_398 = arith.addi %parallel_loop3A_357, %parallel_loop3A_397 : i32
        %parallel_loop3A_399 = arith.index_cast %parallel_loop3A_398 : i32 to index
        %parallel_loop3A_400 = tpu.vector_load %arg7[%parallel_loop3A_399] {strides = array<i32>} : memref<8192xf32, #tpu.memory_space<vmem>>, vector<16xf32>,
        %parallel_loop3A_401 = vector.shape_cast %parallel_loop3A_400 : vector<16xf32> to vector<16xf32>
        %parallel_loop3A_402 = arith.index_cast %parallel_loop3A_398 : i32 to index
        %parallel_loop3A_403 = tpu.vector_load %arg13[%parallel_loop3A_402] {strides = array<i32>} : memref<8192xf32, #tpu.memory_space<vmem>>, vector<16xf32>,
        %parallel_loop3A_404 = vector.shape_cast %parallel_loop3A_403 : vector<16xf32> to vector<16xf32>
        %parallel_loop3A_405 = arith.addf %parallel_loop3A_401, %parallel_loop3A_404 : vector<16xf32>
        %parallel_loop3A_406 = arith.index_cast %parallel_loop3A_398 : i32 to index
        %parallel_loop3A_407 = tpu.vector_load %arg7[%parallel_loop3A_406] {strides = array<i32>} : memref<8192xf32, #tpu.memory_space<vmem>>, vector<16xf32>,
        %parallel_loop3A_408 = vector.shape_cast %parallel_loop3A_407 : vector<16xf32> to vector<16xf32>
        %parallel_loop3A_409 = vector.shape_cast %parallel_loop3A_405 : vector<16xf32> to vector<16xf32>
        tpu.vector_store %arg7[%parallel_loop3A_406], %parallel_loop3A_409 {strides = array<i32>} : memref<8192xf32, #tpu.memory_space<vmem>>, vector<16xf32>,
      } {sc.loop_unroll_factor = 2 : i64, sc.parallel_access}
      %mul3A_192 = arith.constant 2 : i32
      %mul3A_193 = arith.muli %mul3A_192, %scan3A_90 : i32
      %add3A_194 = arith.constant 0 : i32
      %add3A_195 = arith.addi %mul3A_193, %add3A_194 : i32
      %add3A_196 = arith.constant 8192 : i32
      %add3A_197 = arith.addi %add3A_196, %mul3A_2 : i32
      %mul3A_198 = arith.constant 4 : i32
      %mul3A_199 = arith.muli %add3A_195, %mul3A_198 : i32
      %add3A_200 = arith.addi %add3A_197, %mul3A_199 : i32
      %mul3A_201 = arith.constant 2048 : i32
      %mul3A_202 = arith.muli %add3A_200, %mul3A_201 : i32
      %dma_start3A_203 = tpu.memref_slice %arg4[%mul3A_202] : memref<33554432xf32, #tpu.memory_space<hbm>> -> memref<8192xf32, #tpu.memory_space<hbm>>
      %dma_start3A_204 = tpu.memref_slice %arg4[%mul3A_202] : memref<33554432xf32, #tpu.memory_space<hbm>> -> memref<8192xf32, #tpu.memory_space<hbm>>
      tpu.enqueue_dma source(%arg7 : memref<8192xf32, #tpu.memory_space<vmem>>) target(%dma_start3A_204 : memref<8192xf32, #tpu.memory_space<hbm>>) target_semaphore(%arg27 : memref<!tpu.dma_semaphore, #tpu.memory_space<semaphore_mem>>)
      %add3A_205 = arith.constant 1 : i32
      %add3A_206 = arith.addi %scan3A_90, %add3A_205 : i32
      %lt3A = arith.constant 16 : i32
      %lt3A_207 = arith.cmpi slt, %add3A_206, %lt3A : i32
      %convert_element_type3A_208 = arith.extui %lt3A_207 : i1 to i32
      %cond3A_209 = arith.constant 0 : i32
      %cond3A_210 = arith.cmpi ne, %convert_element_type3A_208, %cond3A_209 : i32
      scf.if %cond3A_210 {
        %dma_wait3A_357 = arith.constant 0 : i32
        %dma_wait3A_358 = tpu.memref_slice %arg4[%dma_wait3A_357] : memref<33554432xf32, #tpu.memory_space<hbm>> -> memref<8192xf32, #tpu.memory_space<hbm>>
        %dma_wait3A_359 = arith.constant 0 : i32
        %dma_wait3A_360 = tpu.memref_slice %arg4[%dma_wait3A_359] : memref<33554432xf32, #tpu.memory_space<hbm>> -> memref<8192xf32, #tpu.memory_space<hbm>>
        tpu.wait_dma2 semaphore(%arg25 : memref<!tpu.dma_semaphore, #tpu.memory_space<semaphore_mem>>) src(%arg5 : memref<8192xf32, #tpu.memory_space<vmem>>) dst(%dma_wait3A_360 : memref<8192xf32, #tpu.memory_space<hbm>>)
        %add3A_361 = arith.constant 1 : i32
        %add3A_362 = arith.addi %scan3A_90, %add3A_361 : i32
        %mul3A_363 = arith.constant 2 : i32
        %mul3A_364 = arith.muli %mul3A_363, %add3A_362 : i32
        %add3A_365 = arith.constant 0 : i32
        %add3A_366 = arith.addi %mul3A_364, %add3A_365 : i32
        %add3A_367 = arith.constant 0 : i32
        %add3A_368 = arith.addi %add3A_367, %mul3A_2 : i32
        %mul3A_369 = arith.constant 4 : i32
        %mul3A_370 = arith.muli %add3A_366, %mul3A_369 : i32
        %add3A_371 = arith.addi %add3A_368, %mul3A_370 : i32
        %mul3A_372 = arith.constant 2048 : i32
        %mul3A_373 = arith.muli %add3A_371, %mul3A_372 : i32
        %dma_start3A_374 = tpu.memref_slice %arg2[%mul3A_373] : memref<33554432xf32, #tpu.memory_space<hbm>> -> memref<8192xf32, #tpu.memory_space<hbm>>
        %dma_start3A_375 = tpu.memref_slice %arg2[%mul3A_373] : memref<33554432xf32, #tpu.memory_space<hbm>> -> memref<8192xf32, #tpu.memory_space<hbm>>
        tpu.enqueue_dma source(%dma_start3A_375 : memref<8192xf32, #tpu.memory_space<hbm>>) target(%arg5 : memref<8192xf32, #tpu.memory_space<vmem>>) target_semaphore(%arg15 : memref<!tpu.dma_semaphore, #tpu.memory_space<semaphore_mem>>)
      } else {
      }
      %dma_wait3A_211 = arith.constant 0 : i32
      %dma_wait3A_212 = tpu.memref_slice %arg2[%dma_wait3A_211] : memref<33554432xf32, #tpu.memory_space<hbm>> -> memref<8192xf32, #tpu.memory_space<hbm>>
      %dma_wait3A_213 = arith.constant 0 : i32
      %dma_wait3A_214 = tpu.memref_slice %arg2[%dma_wait3A_213] : memref<33554432xf32, #tpu.memory_space<hbm>> -> memref<8192xf32, #tpu.memory_space<hbm>>
      tpu.wait_dma2 semaphore(%arg18 : memref<!tpu.dma_semaphore, #tpu.memory_space<semaphore_mem>>) src(%dma_wait3A_214 : memref<8192xf32, #tpu.memory_space<hbm>>) dst(%arg8 : memref<8192xf32, #tpu.memory_space<vmem>>)
      %parallel_loop3A_215 = arith.constant 0 : i32
      %parallel_loop3A_216 = arith.constant 8192 : i32
      %parallel_loop3A_217 = arith.constant 64 : i32
      scf.for %parallel_loop3A_357 = %parallel_loop3A_215 to %parallel_loop3A_216 step %parallel_loop3A_217  : i32 {
        %parallel_loop3A_358 = arith.constant 0 : i32
        %parallel_loop3A_359 = arith.addi %parallel_loop3A_357, %parallel_loop3A_358 : i32
        %parallel_loop3A_360 = arith.index_cast %parallel_loop3A_359 : i32 to index
        %parallel_loop3A_361 = tpu.vector_load %arg8[%parallel_loop3A_360] {strides = array<i32>} : memref<8192xf32, #tpu.memory_space<vmem>>, vector<16xf32>,
        %parallel_loop3A_362 = vector.shape_cast %parallel_loop3A_361 : vector<16xf32> to vector<16xf32>
        %parallel_loop3A_363 = arith.index_cast %parallel_loop3A_359 : i32 to index
        %parallel_loop3A_364 = tpu.vector_load %arg13[%parallel_loop3A_363] {strides = array<i32>} : memref<8192xf32, #tpu.memory_space<vmem>>, vector<16xf32>,
        %parallel_loop3A_365 = vector.shape_cast %parallel_loop3A_364 : vector<16xf32> to vector<16xf32>
        %parallel_loop3A_366 = arith.addf %parallel_loop3A_362, %parallel_loop3A_365 : vector<16xf32>
        %parallel_loop3A_367 = arith.index_cast %parallel_loop3A_359 : i32 to index
        %parallel_loop3A_368 = tpu.vector_load %arg8[%parallel_loop3A_367] {strides = array<i32>} : memref<8192xf32, #tpu.memory_space<vmem>>, vector<16xf32>,
        %parallel_loop3A_369 = vector.shape_cast %parallel_loop3A_368 : vector<16xf32> to vector<16xf32>
        %parallel_loop3A_370 = vector.shape_cast %parallel_loop3A_366 : vector<16xf32> to vector<16xf32>
        tpu.vector_store %arg8[%parallel_loop3A_367], %parallel_loop3A_370 {strides = array<i32>} : memref<8192xf32, #tpu.memory_space<vmem>>, vector<16xf32>,
        %parallel_loop3A_371 = arith.constant 16 : i32
        %parallel_loop3A_372 = arith.addi %parallel_loop3A_357, %parallel_loop3A_371 : i32
        %parallel_loop3A_373 = arith.index_cast %parallel_loop3A_372 : i32 to index
        %parallel_loop3A_374 = tpu.vector_load %arg8[%parallel_loop3A_373] {strides = array<i32>} : memref<8192xf32, #tpu.memory_space<vmem>>, vector<16xf32>,
        %parallel_loop3A_375 = vector.shape_cast %parallel_loop3A_374 : vector<16xf32> to vector<16xf32>
        %parallel_loop3A_376 = arith.index_cast %parallel_loop3A_372 : i32 to index
        %parallel_loop3A_377 = tpu.vector_load %arg13[%parallel_loop3A_376] {strides = array<i32>} : memref<8192xf32, #tpu.memory_space<vmem>>, vector<16xf32>,
        %parallel_loop3A_378 = vector.shape_cast %parallel_loop3A_377 : vector<16xf32> to vector<16xf32>
        %parallel_loop3A_379 = arith.addf %parallel_loop3A_375, %parallel_loop3A_378 : vector<16xf32>
        %parallel_loop3A_380 = arith.index_cast %parallel_loop3A_372 : i32 to index
        %parallel_loop3A_381 = tpu.vector_load %arg8[%parallel_loop3A_380] {strides = array<i32>} : memref<8192xf32, #tpu.memory_space<vmem>>, vector<16xf32>,
        %parallel_loop3A_382 = vector.shape_cast %parallel_loop3A_381 : vector<16xf32> to vector<16xf32>
        %parallel_loop3A_383 = vector.shape_cast %parallel_loop3A_379 : vector<16xf32> to vector<16xf32>
        tpu.vector_store %arg8[%parallel_loop3A_380], %parallel_loop3A_383 {strides = array<i32>} : memref<8192xf32, #tpu.memory_space<vmem>>, vector<16xf32>,
        %parallel_loop3A_384 = arith.constant 32 : i32
        %parallel_loop3A_385 = arith.addi %parallel_loop3A_357, %parallel_loop3A_384 : i32
        %parallel_loop3A_386 = arith.index_cast %parallel_loop3A_385 : i32 to index
        %parallel_loop3A_387 = tpu.vector_load %arg8[%parallel_loop3A_386] {strides = array<i32>} : memref<8192xf32, #tpu.memory_space<vmem>>, vector<16xf32>,
        %parallel_loop3A_388 = vector.shape_cast %parallel_loop3A_387 : vector<16xf32> to vector<16xf32>
        %parallel_loop3A_389 = arith.index_cast %parallel_loop3A_385 : i32 to index
        %parallel_loop3A_390 = tpu.vector_load %arg13[%parallel_loop3A_389] {strides = array<i32>} : memref<8192xf32, #tpu.memory_space<vmem>>, vector<16xf32>,
        %parallel_loop3A_391 = vector.shape_cast %parallel_loop3A_390 : vector<16xf32> to vector<16xf32>
        %parallel_loop3A_392 = arith.addf %parallel_loop3A_388, %parallel_loop3A_391 : vector<16xf32>
        %parallel_loop3A_393 = arith.index_cast %parallel_loop3A_385 : i32 to index
        %parallel_loop3A_394 = tpu.vector_load %arg8[%parallel_loop3A_393] {strides = array<i32>} : memref<8192xf32, #tpu.memory_space<vmem>>, vector<16xf32>,
        %parallel_loop3A_395 = vector.shape_cast %parallel_loop3A_394 : vector<16xf32> to vector<16xf32>
        %parallel_loop3A_396 = vector.shape_cast %parallel_loop3A_392 : vector<16xf32> to vector<16xf32>
        tpu.vector_store %arg8[%parallel_loop3A_393], %parallel_loop3A_396 {strides = array<i32>} : memref<8192xf32, #tpu.memory_space<vmem>>, vector<16xf32>,
        %parallel_loop3A_397 = arith.constant 48 : i32
        %parallel_loop3A_398 = arith.addi %parallel_loop3A_357, %parallel_loop3A_397 : i32
        %parallel_loop3A_399 = arith.index_cast %parallel_loop3A_398 : i32 to index
        %parallel_loop3A_400 = tpu.vector_load %arg8[%parallel_loop3A_399] {strides = array<i32>} : memref<8192xf32, #tpu.memory_space<vmem>>, vector<16xf32>,
        %parallel_loop3A_401 = vector.shape_cast %parallel_loop3A_400 : vector<16xf32> to vector<16xf32>
        %parallel_loop3A_402 = arith.index_cast %parallel_loop3A_398 : i32 to index
        %parallel_loop3A_403 = tpu.vector_load %arg13[%parallel_loop3A_402] {strides = array<i32>} : memref<8192xf32, #tpu.memory_space<vmem>>, vector<16xf32>,
        %parallel_loop3A_404 = vector.shape_cast %parallel_loop3A_403 : vector<16xf32> to vector<16xf32>
        %parallel_loop3A_405 = arith.addf %parallel_loop3A_401, %parallel_loop3A_404 : vector<16xf32>
        %parallel_loop3A_406 = arith.index_cast %parallel_loop3A_398 : i32 to index
        %parallel_loop3A_407 = tpu.vector_load %arg8[%parallel_loop3A_406] {strides = array<i32>} : memref<8192xf32, #tpu.memory_space<vmem>>, vector<16xf32>,
        %parallel_loop3A_408 = vector.shape_cast %parallel_loop3A_407 : vector<16xf32> to vector<16xf32>
        %parallel_loop3A_409 = vector.shape_cast %parallel_loop3A_405 : vector<16xf32> to vector<16xf32>
        tpu.vector_store %arg8[%parallel_loop3A_406], %parallel_loop3A_409 {strides = array<i32>} : memref<8192xf32, #tpu.memory_space<vmem>>, vector<16xf32>,
      } {sc.loop_unroll_factor = 2 : i64, sc.parallel_access}
      %mul3A_218 = arith.constant 2 : i32
      %mul3A_219 = arith.muli %mul3A_218, %scan3A_90 : i32
      %add3A_220 = arith.constant 0 : i32
      %add3A_221 = arith.addi %mul3A_219, %add3A_220 : i32
      %add3A_222 = arith.constant 12288 : i32
      %add3A_223 = arith.addi %add3A_222, %mul3A_2 : i32
      %mul3A_224 = arith.constant 4 : i32
      %mul3A_225 = arith.muli %add3A_221, %mul3A_224 : i32
      %add3A_226 = arith.addi %add3A_223, %mul3A_225 : i32
      %mul3A_227 = arith.constant 2048 : i32
      %mul3A_228 = arith.muli %add3A_226, %mul3A_227 : i32
      %dma_start3A_229 = tpu.memref_slice %arg4[%mul3A_228] : memref<33554432xf32, #tpu.memory_space<hbm>> -> memref<8192xf32, #tpu.memory_space<hbm>>
      %dma_start3A_230 = tpu.memref_slice %arg4[%mul3A_228] : memref<33554432xf32, #tpu.memory_space<hbm>> -> memref<8192xf32, #tpu.memory_space<hbm>>
      tpu.enqueue_dma source(%arg8 : memref<8192xf32, #tpu.memory_space<vmem>>) target(%dma_start3A_230 : memref<8192xf32, #tpu.memory_space<hbm>>) target_semaphore(%arg28 : memref<!tpu.dma_semaphore, #tpu.memory_space<semaphore_mem>>)
      %add3A_231 = arith.constant 1 : i32
      %add3A_232 = arith.addi %scan3A_90, %add3A_231 : i32
      %lt3A_233 = arith.constant 16 : i32
      %lt3A_234 = arith.cmpi slt, %add3A_232, %lt3A_233 : i32
      %convert_element_type3A_235 = arith.extui %lt3A_234 : i1 to i32
      %cond3A_236 = arith.constant 0 : i32
      %cond3A_237 = arith.cmpi ne, %convert_element_type3A_235, %cond3A_236 : i32
      scf.if %cond3A_237 {
        %add3A_357 = arith.constant 1 : i32
        %add3A_358 = arith.addi %scan3A_90, %add3A_357 : i32
        %mul3A_359 = arith.constant 2 : i32
        %mul3A_360 = arith.muli %mul3A_359, %add3A_358 : i32
        %add3A_361 = arith.constant 0 : i32
        %add3A_362 = arith.addi %mul3A_360, %add3A_361 : i32
        %mul3A_363 = arith.constant 4 : i32
        %mul3A_364 = arith.muli %add3A_362, %mul3A_363 : i32
        %add3A_365 = arith.addi %mul3A_2, %mul3A_364 : i32
        %mul3A_366 = arith.constant 2048 : i32
        %mul3A_367 = arith.muli %add3A_365, %mul3A_366 : i32
        %dma_start3A_368 = tpu.memref_slice %arg3[%mul3A_367] : memref<8388608xf32, #tpu.memory_space<hbm>> -> memref<8192xf32, #tpu.memory_space<hbm>>
        %dma_start3A_369 = tpu.memref_slice %arg3[%mul3A_367] : memref<8388608xf32, #tpu.memory_space<hbm>> -> memref<8192xf32, #tpu.memory_space<hbm>>
        tpu.enqueue_dma source(%dma_start3A_369 : memref<8192xf32, #tpu.memory_space<hbm>>) target(%arg13 : memref<8192xf32, #tpu.memory_space<vmem>>) target_semaphore(%arg23 : memref<!tpu.dma_semaphore, #tpu.memory_space<semaphore_mem>>)
      } else {
      }
      %add3A_238 = arith.constant 1 : i32
      %add3A_239 = arith.addi %scan3A_90, %add3A_238 : i32
      %lt3A_240 = arith.constant 16 : i32
      %lt3A_241 = arith.cmpi slt, %add3A_239, %lt3A_240 : i32
      %convert_element_type3A_242 = arith.extui %lt3A_241 : i1 to i32
      %cond3A_243 = arith.constant 0 : i32
      %cond3A_244 = arith.cmpi ne, %convert_element_type3A_242, %cond3A_243 : i32
      scf.if %cond3A_244 {
        %dma_wait3A_357 = arith.constant 0 : i32
        %dma_wait3A_358 = tpu.memref_slice %arg4[%dma_wait3A_357] : memref<33554432xf32, #tpu.memory_space<hbm>> -> memref<8192xf32, #tpu.memory_space<hbm>>
        %dma_wait3A_359 = arith.constant 0 : i32
        %dma_wait3A_360 = tpu.memref_slice %arg4[%dma_wait3A_359] : memref<33554432xf32, #tpu.memory_space<hbm>> -> memref<8192xf32, #tpu.memory_space<hbm>>
        tpu.wait_dma2 semaphore(%arg26 : memref<!tpu.dma_semaphore, #tpu.memory_space<semaphore_mem>>) src(%arg6 : memref<8192xf32, #tpu.memory_space<vmem>>) dst(%dma_wait3A_360 : memref<8192xf32, #tpu.memory_space<hbm>>)
        %add3A_361 = arith.constant 1 : i32
        %add3A_362 = arith.addi %scan3A_90, %add3A_361 : i32
        %mul3A_363 = arith.constant 2 : i32
        %mul3A_364 = arith.muli %mul3A_363, %add3A_362 : i32
        %add3A_365 = arith.constant 0 : i32
        %add3A_366 = arith.addi %mul3A_364, %add3A_365 : i32
        %add3A_367 = arith.constant 4096 : i32
        %add3A_368 = arith.addi %add3A_367, %mul3A_2 : i32
        %mul3A_369 = arith.constant 4 : i32
        %mul3A_370 = arith.muli %add3A_366, %mul3A_369 : i32
        %add3A_371 = arith.addi %add3A_368, %mul3A_370 : i32
        %mul3A_372 = arith.constant 2048 : i32
        %mul3A_373 = arith.muli %add3A_371, %mul3A_372 : i32
        %dma_start3A_374 = tpu.memref_slice %arg2[%mul3A_373] : memref<33554432xf32, #tpu.memory_space<hbm>> -> memref<8192xf32, #tpu.memory_space<hbm>>
        %dma_start3A_375 = tpu.memref_slice %arg2[%mul3A_373] : memref<33554432xf32, #tpu.memory_space<hbm>> -> memref<8192xf32, #tpu.memory_space<hbm>>
        tpu.enqueue_dma source(%dma_start3A_375 : memref<8192xf32, #tpu.memory_space<hbm>>) target(%arg6 : memref<8192xf32, #tpu.memory_space<vmem>>) target_semaphore(%arg16 : memref<!tpu.dma_semaphore, #tpu.memory_space<semaphore_mem>>)
      } else {
      }
      %dma_wait3A_245 = arith.constant 0 : i32
      %dma_wait3A_246 = tpu.memref_slice %arg3[%dma_wait3A_245] : memref<8388608xf32, #tpu.memory_space<hbm>> -> memref<8192xf32, #tpu.memory_space<hbm>>
      %dma_wait3A_247 = arith.constant 0 : i32
      %dma_wait3A_248 = tpu.memref_slice %arg3[%dma_wait3A_247] : memref<8388608xf32, #tpu.memory_space<hbm>> -> memref<8192xf32, #tpu.memory_space<hbm>>
      tpu.wait_dma2 semaphore(%arg24 : memref<!tpu.dma_semaphore, #tpu.memory_space<semaphore_mem>>) src(%dma_wait3A_248 : memref<8192xf32, #tpu.memory_space<hbm>>) dst(%arg14 : memref<8192xf32, #tpu.memory_space<vmem>>)
      %dma_wait3A_249 = arith.constant 0 : i32
      %dma_wait3A_250 = tpu.memref_slice %arg2[%dma_wait3A_249] : memref<33554432xf32, #tpu.memory_space<hbm>> -> memref<8192xf32, #tpu.memory_space<hbm>>
      %dma_wait3A_251 = arith.constant 0 : i32
      %dma_wait3A_252 = tpu.memref_slice %arg2[%dma_wait3A_251] : memref<33554432xf32, #tpu.memory_space<hbm>> -> memref<8192xf32, #tpu.memory_space<hbm>>
      tpu.wait_dma2 semaphore(%arg19 : memref<!tpu.dma_semaphore, #tpu.memory_space<semaphore_mem>>) src(%dma_wait3A_252 : memref<8192xf32, #tpu.memory_space<hbm>>) dst(%arg9 : memref<8192xf32, #tpu.memory_space<vmem>>)
      %parallel_loop3A_253 = arith.constant 0 : i32
      %parallel_loop3A_254 = arith.constant 8192 : i32
      %parallel_loop3A_255 = arith.constant 64 : i32
      scf.for %parallel_loop3A_357 = %parallel_loop3A_253 to %parallel_loop3A_254 step %parallel_loop3A_255  : i32 {
        %parallel_loop3A_358 = arith.constant 0 : i32
        %parallel_loop3A_359 = arith.addi %parallel_loop3A_357, %parallel_loop3A_358 : i32
        %parallel_loop3A_360 = arith.index_cast %parallel_loop3A_359 : i32 to index
        %parallel_loop3A_361 = tpu.vector_load %arg9[%parallel_loop3A_360] {strides = array<i32>} : memref<8192xf32, #tpu.memory_space<vmem>>, vector<16xf32>,
        %parallel_loop3A_362 = vector.shape_cast %parallel_loop3A_361 : vector<16xf32> to vector<16xf32>
        %parallel_loop3A_363 = arith.index_cast %parallel_loop3A_359 : i32 to index
        %parallel_loop3A_364 = tpu.vector_load %arg14[%parallel_loop3A_363] {strides = array<i32>} : memref<8192xf32, #tpu.memory_space<vmem>>, vector<16xf32>,
        %parallel_loop3A_365 = vector.shape_cast %parallel_loop3A_364 : vector<16xf32> to vector<16xf32>
        %parallel_loop3A_366 = arith.addf %parallel_loop3A_362, %parallel_loop3A_365 : vector<16xf32>
        %parallel_loop3A_367 = arith.index_cast %parallel_loop3A_359 : i32 to index
        %parallel_loop3A_368 = tpu.vector_load %arg9[%parallel_loop3A_367] {strides = array<i32>} : memref<8192xf32, #tpu.memory_space<vmem>>, vector<16xf32>,
        %parallel_loop3A_369 = vector.shape_cast %parallel_loop3A_368 : vector<16xf32> to vector<16xf32>
        %parallel_loop3A_370 = vector.shape_cast %parallel_loop3A_366 : vector<16xf32> to vector<16xf32>
        tpu.vector_store %arg9[%parallel_loop3A_367], %parallel_loop3A_370 {strides = array<i32>} : memref<8192xf32, #tpu.memory_space<vmem>>, vector<16xf32>,
        %parallel_loop3A_371 = arith.constant 16 : i32
        %parallel_loop3A_372 = arith.addi %parallel_loop3A_357, %parallel_loop3A_371 : i32
        %parallel_loop3A_373 = arith.index_cast %parallel_loop3A_372 : i32 to index
        %parallel_loop3A_374 = tpu.vector_load %arg9[%parallel_loop3A_373] {strides = array<i32>} : memref<8192xf32, #tpu.memory_space<vmem>>, vector<16xf32>,
        %parallel_loop3A_375 = vector.shape_cast %parallel_loop3A_374 : vector<16xf32> to vector<16xf32>
        %parallel_loop3A_376 = arith.index_cast %parallel_loop3A_372 : i32 to index
        %parallel_loop3A_377 = tpu.vector_load %arg14[%parallel_loop3A_376] {strides = array<i32>} : memref<8192xf32, #tpu.memory_space<vmem>>, vector<16xf32>,
        %parallel_loop3A_378 = vector.shape_cast %parallel_loop3A_377 : vector<16xf32> to vector<16xf32>
        %parallel_loop3A_379 = arith.addf %parallel_loop3A_375, %parallel_loop3A_378 : vector<16xf32>
        %parallel_loop3A_380 = arith.index_cast %parallel_loop3A_372 : i32 to index
        %parallel_loop3A_381 = tpu.vector_load %arg9[%parallel_loop3A_380] {strides = array<i32>} : memref<8192xf32, #tpu.memory_space<vmem>>, vector<16xf32>,
        %parallel_loop3A_382 = vector.shape_cast %parallel_loop3A_381 : vector<16xf32> to vector<16xf32>
        %parallel_loop3A_383 = vector.shape_cast %parallel_loop3A_379 : vector<16xf32> to vector<16xf32>
        tpu.vector_store %arg9[%parallel_loop3A_380], %parallel_loop3A_383 {strides = array<i32>} : memref<8192xf32, #tpu.memory_space<vmem>>, vector<16xf32>,
        %parallel_loop3A_384 = arith.constant 32 : i32
        %parallel_loop3A_385 = arith.addi %parallel_loop3A_357, %parallel_loop3A_384 : i32
        %parallel_loop3A_386 = arith.index_cast %parallel_loop3A_385 : i32 to index
        %parallel_loop3A_387 = tpu.vector_load %arg9[%parallel_loop3A_386] {strides = array<i32>} : memref<8192xf32, #tpu.memory_space<vmem>>, vector<16xf32>,
        %parallel_loop3A_388 = vector.shape_cast %parallel_loop3A_387 : vector<16xf32> to vector<16xf32>
        %parallel_loop3A_389 = arith.index_cast %parallel_loop3A_385 : i32 to index
        %parallel_loop3A_390 = tpu.vector_load %arg14[%parallel_loop3A_389] {strides = array<i32>} : memref<8192xf32, #tpu.memory_space<vmem>>, vector<16xf32>,
        %parallel_loop3A_391 = vector.shape_cast %parallel_loop3A_390 : vector<16xf32> to vector<16xf32>
        %parallel_loop3A_392 = arith.addf %parallel_loop3A_388, %parallel_loop3A_391 : vector<16xf32>
        %parallel_loop3A_393 = arith.index_cast %parallel_loop3A_385 : i32 to index
        %parallel_loop3A_394 = tpu.vector_load %arg9[%parallel_loop3A_393] {strides = array<i32>} : memref<8192xf32, #tpu.memory_space<vmem>>, vector<16xf32>,
        %parallel_loop3A_395 = vector.shape_cast %parallel_loop3A_394 : vector<16xf32> to vector<16xf32>
        %parallel_loop3A_396 = vector.shape_cast %parallel_loop3A_392 : vector<16xf32> to vector<16xf32>
        tpu.vector_store %arg9[%parallel_loop3A_393], %parallel_loop3A_396 {strides = array<i32>} : memref<8192xf32, #tpu.memory_space<vmem>>, vector<16xf32>,
        %parallel_loop3A_397 = arith.constant 48 : i32
        %parallel_loop3A_398 = arith.addi %parallel_loop3A_357, %parallel_loop3A_397 : i32
        %parallel_loop3A_399 = arith.index_cast %parallel_loop3A_398 : i32 to index
        %parallel_loop3A_400 = tpu.vector_load %arg9[%parallel_loop3A_399] {strides = array<i32>} : memref<8192xf32, #tpu.memory_space<vmem>>, vector<16xf32>,
        %parallel_loop3A_401 = vector.shape_cast %parallel_loop3A_400 : vector<16xf32> to vector<16xf32>
        %parallel_loop3A_402 = arith.index_cast %parallel_loop3A_398 : i32 to index
        %parallel_loop3A_403 = tpu.vector_load %arg14[%parallel_loop3A_402] {strides = array<i32>} : memref<8192xf32, #tpu.memory_space<vmem>>, vector<16xf32>,
        %parallel_loop3A_404 = vector.shape_cast %parallel_loop3A_403 : vector<16xf32> to vector<16xf32>
        %parallel_loop3A_405 = arith.addf %parallel_loop3A_401, %parallel_loop3A_404 : vector<16xf32>
        %parallel_loop3A_406 = arith.index_cast %parallel_loop3A_398 : i32 to index
        %parallel_loop3A_407 = tpu.vector_load %arg9[%parallel_loop3A_406] {strides = array<i32>} : memref<8192xf32, #tpu.memory_space<vmem>>, vector<16xf32>,
        %parallel_loop3A_408 = vector.shape_cast %parallel_loop3A_407 : vector<16xf32> to vector<16xf32>
        %parallel_loop3A_409 = vector.shape_cast %parallel_loop3A_405 : vector<16xf32> to vector<16xf32>
        tpu.vector_store %arg9[%parallel_loop3A_406], %parallel_loop3A_409 {strides = array<i32>} : memref<8192xf32, #tpu.memory_space<vmem>>, vector<16xf32>,
      } {sc.loop_unroll_factor = 2 : i64, sc.parallel_access}
      %mul3A_256 = arith.constant 2 : i32
      %mul3A_257 = arith.muli %mul3A_256, %scan3A_90 : i32
      %add3A_258 = arith.constant 1 : i32
      %add3A_259 = arith.addi %mul3A_257, %add3A_258 : i32
      %add3A_260 = arith.constant 0 : i32
      %add3A_261 = arith.addi %add3A_260, %mul3A_2 : i32
      %mul3A_262 = arith.constant 4 : i32
      %mul3A_263 = arith.muli %add3A_259, %mul3A_262 : i32
      %add3A_264 = arith.addi %add3A_261, %mul3A_263 : i32
      %mul3A_265 = arith.constant 2048 : i32
      %mul3A_266 = arith.muli %add3A_264, %mul3A_265 : i32
      %dma_start3A_267 = tpu.memref_slice %arg4[%mul3A_266] : memref<33554432xf32, #tpu.memory_space<hbm>> -> memref<8192xf32, #tpu.memory_space<hbm>>
      %dma_start3A_268 = tpu.memref_slice %arg4[%mul3A_266] : memref<33554432xf32, #tpu.memory_space<hbm>> -> memref<8192xf32, #tpu.memory_space<hbm>>
      tpu.enqueue_dma source(%arg9 : memref<8192xf32, #tpu.memory_space<vmem>>) target(%dma_start3A_268 : memref<8192xf32, #tpu.memory_space<hbm>>) target_semaphore(%arg29 : memref<!tpu.dma_semaphore, #tpu.memory_space<semaphore_mem>>)
      %add3A_269 = arith.constant 1 : i32
      %add3A_270 = arith.addi %scan3A_90, %add3A_269 : i32
      %lt3A_271 = arith.constant 16 : i32
      %lt3A_272 = arith.cmpi slt, %add3A_270, %lt3A_271 : i32
      %convert_element_type3A_273 = arith.extui %lt3A_272 : i1 to i32
      %cond3A_274 = arith.constant 0 : i32
      %cond3A_275 = arith.cmpi ne, %convert_element_type3A_273, %cond3A_274 : i32
      scf.if %cond3A_275 {
        %dma_wait3A_357 = arith.constant 0 : i32
        %dma_wait3A_358 = tpu.memref_slice %arg4[%dma_wait3A_357] : memref<33554432xf32, #tpu.memory_space<hbm>> -> memref<8192xf32, #tpu.memory_space<hbm>>
        %dma_wait3A_359 = arith.constant 0 : i32
        %dma_wait3A_360 = tpu.memref_slice %arg4[%dma_wait3A_359] : memref<33554432xf32, #tpu.memory_space<hbm>> -> memref<8192xf32, #tpu.memory_space<hbm>>
        tpu.wait_dma2 semaphore(%arg27 : memref<!tpu.dma_semaphore, #tpu.memory_space<semaphore_mem>>) src(%arg7 : memref<8192xf32, #tpu.memory_space<vmem>>) dst(%dma_wait3A_360 : memref<8192xf32, #tpu.memory_space<hbm>>)
        %add3A_361 = arith.constant 1 : i32
        %add3A_362 = arith.addi %scan3A_90, %add3A_361 : i32
        %mul3A_363 = arith.constant 2 : i32
        %mul3A_364 = arith.muli %mul3A_363, %add3A_362 : i32
        %add3A_365 = arith.constant 0 : i32
        %add3A_366 = arith.addi %mul3A_364, %add3A_365 : i32
        %add3A_367 = arith.constant 8192 : i32
        %add3A_368 = arith.addi %add3A_367, %mul3A_2 : i32
        %mul3A_369 = arith.constant 4 : i32
        %mul3A_370 = arith.muli %add3A_366, %mul3A_369 : i32
        %add3A_371 = arith.addi %add3A_368, %mul3A_370 : i32
        %mul3A_372 = arith.constant 2048 : i32
        %mul3A_373 = arith.muli %add3A_371, %mul3A_372 : i32
        %dma_start3A_374 = tpu.memref_slice %arg2[%mul3A_373] : memref<33554432xf32, #tpu.memory_space<hbm>> -> memref<8192xf32, #tpu.memory_space<hbm>>
        %dma_start3A_375 = tpu.memref_slice %arg2[%mul3A_373] : memref<33554432xf32, #tpu.memory_space<hbm>> -> memref<8192xf32, #tpu.memory_space<hbm>>
        tpu.enqueue_dma source(%dma_start3A_375 : memref<8192xf32, #tpu.memory_space<hbm>>) target(%arg7 : memref<8192xf32, #tpu.memory_space<vmem>>) target_semaphore(%arg17 : memref<!tpu.dma_semaphore, #tpu.memory_space<semaphore_mem>>)
      } else {
      }
      %dma_wait3A_276 = arith.constant 0 : i32
      %dma_wait3A_277 = tpu.memref_slice %arg2[%dma_wait3A_276] : memref<33554432xf32, #tpu.memory_space<hbm>> -> memref<8192xf32, #tpu.memory_space<hbm>>
      %dma_wait3A_278 = arith.constant 0 : i32
      %dma_wait3A_279 = tpu.memref_slice %arg2[%dma_wait3A_278] : memref<33554432xf32, #tpu.memory_space<hbm>> -> memref<8192xf32, #tpu.memory_space<hbm>>
      tpu.wait_dma2 semaphore(%arg20 : memref<!tpu.dma_semaphore, #tpu.memory_space<semaphore_mem>>) src(%dma_wait3A_279 : memref<8192xf32, #tpu.memory_space<hbm>>) dst(%arg10 : memref<8192xf32, #tpu.memory_space<vmem>>)
      %parallel_loop3A_280 = arith.constant 0 : i32
      %parallel_loop3A_281 = arith.constant 8192 : i32
      %parallel_loop3A_282 = arith.constant 64 : i32
      scf.for %parallel_loop3A_357 = %parallel_loop3A_280 to %parallel_loop3A_281 step %parallel_loop3A_282  : i32 {
        %parallel_loop3A_358 = arith.constant 0 : i32
        %parallel_loop3A_359 = arith.addi %parallel_loop3A_357, %parallel_loop3A_358 : i32
        %parallel_loop3A_360 = arith.index_cast %parallel_loop3A_359 : i32 to index
        %parallel_loop3A_361 = tpu.vector_load %arg10[%parallel_loop3A_360] {strides = array<i32>} : memref<8192xf32, #tpu.memory_space<vmem>>, vector<16xf32>,
        %parallel_loop3A_362 = vector.shape_cast %parallel_loop3A_361 : vector<16xf32> to vector<16xf32>
        %parallel_loop3A_363 = arith.index_cast %parallel_loop3A_359 : i32 to index
        %parallel_loop3A_364 = tpu.vector_load %arg14[%parallel_loop3A_363] {strides = array<i32>} : memref<8192xf32, #tpu.memory_space<vmem>>, vector<16xf32>,
        %parallel_loop3A_365 = vector.shape_cast %parallel_loop3A_364 : vector<16xf32> to vector<16xf32>
        %parallel_loop3A_366 = arith.addf %parallel_loop3A_362, %parallel_loop3A_365 : vector<16xf32>
        %parallel_loop3A_367 = arith.index_cast %parallel_loop3A_359 : i32 to index
        %parallel_loop3A_368 = tpu.vector_load %arg10[%parallel_loop3A_367] {strides = array<i32>} : memref<8192xf32, #tpu.memory_space<vmem>>, vector<16xf32>,
        %parallel_loop3A_369 = vector.shape_cast %parallel_loop3A_368 : vector<16xf32> to vector<16xf32>
        %parallel_loop3A_370 = vector.shape_cast %parallel_loop3A_366 : vector<16xf32> to vector<16xf32>
        tpu.vector_store %arg10[%parallel_loop3A_367], %parallel_loop3A_370 {strides = array<i32>} : memref<8192xf32, #tpu.memory_space<vmem>>, vector<16xf32>,
        %parallel_loop3A_371 = arith.constant 16 : i32
        %parallel_loop3A_372 = arith.addi %parallel_loop3A_357, %parallel_loop3A_371 : i32
        %parallel_loop3A_373 = arith.index_cast %parallel_loop3A_372 : i32 to index
        %parallel_loop3A_374 = tpu.vector_load %arg10[%parallel_loop3A_373] {strides = array<i32>} : memref<8192xf32, #tpu.memory_space<vmem>>, vector<16xf32>,
        %parallel_loop3A_375 = vector.shape_cast %parallel_loop3A_374 : vector<16xf32> to vector<16xf32>
        %parallel_loop3A_376 = arith.index_cast %parallel_loop3A_372 : i32 to index
        %parallel_loop3A_377 = tpu.vector_load %arg14[%parallel_loop3A_376] {strides = array<i32>} : memref<8192xf32, #tpu.memory_space<vmem>>, vector<16xf32>,
        %parallel_loop3A_378 = vector.shape_cast %parallel_loop3A_377 : vector<16xf32> to vector<16xf32>
        %parallel_loop3A_379 = arith.addf %parallel_loop3A_375, %parallel_loop3A_378 : vector<16xf32>
        %parallel_loop3A_380 = arith.index_cast %parallel_loop3A_372 : i32 to index
        %parallel_loop3A_381 = tpu.vector_load %arg10[%parallel_loop3A_380] {strides = array<i32>} : memref<8192xf32, #tpu.memory_space<vmem>>, vector<16xf32>,
        %parallel_loop3A_382 = vector.shape_cast %parallel_loop3A_381 : vector<16xf32> to vector<16xf32>
        %parallel_loop3A_383 = vector.shape_cast %parallel_loop3A_379 : vector<16xf32> to vector<16xf32>
        tpu.vector_store %arg10[%parallel_loop3A_380], %parallel_loop3A_383 {strides = array<i32>} : memref<8192xf32, #tpu.memory_space<vmem>>, vector<16xf32>,
        %parallel_loop3A_384 = arith.constant 32 : i32
        %parallel_loop3A_385 = arith.addi %parallel_loop3A_357, %parallel_loop3A_384 : i32
        %parallel_loop3A_386 = arith.index_cast %parallel_loop3A_385 : i32 to index
        %parallel_loop3A_387 = tpu.vector_load %arg10[%parallel_loop3A_386] {strides = array<i32>} : memref<8192xf32, #tpu.memory_space<vmem>>, vector<16xf32>,
        %parallel_loop3A_388 = vector.shape_cast %parallel_loop3A_387 : vector<16xf32> to vector<16xf32>
        %parallel_loop3A_389 = arith.index_cast %parallel_loop3A_385 : i32 to index
        %parallel_loop3A_390 = tpu.vector_load %arg14[%parallel_loop3A_389] {strides = array<i32>} : memref<8192xf32, #tpu.memory_space<vmem>>, vector<16xf32>,
        %parallel_loop3A_391 = vector.shape_cast %parallel_loop3A_390 : vector<16xf32> to vector<16xf32>
        %parallel_loop3A_392 = arith.addf %parallel_loop3A_388, %parallel_loop3A_391 : vector<16xf32>
        %parallel_loop3A_393 = arith.index_cast %parallel_loop3A_385 : i32 to index
        %parallel_loop3A_394 = tpu.vector_load %arg10[%parallel_loop3A_393] {strides = array<i32>} : memref<8192xf32, #tpu.memory_space<vmem>>, vector<16xf32>,
        %parallel_loop3A_395 = vector.shape_cast %parallel_loop3A_394 : vector<16xf32> to vector<16xf32>
        %parallel_loop3A_396 = vector.shape_cast %parallel_loop3A_392 : vector<16xf32> to vector<16xf32>
        tpu.vector_store %arg10[%parallel_loop3A_393], %parallel_loop3A_396 {strides = array<i32>} : memref<8192xf32, #tpu.memory_space<vmem>>, vector<16xf32>,
        %parallel_loop3A_397 = arith.constant 48 : i32
        %parallel_loop3A_398 = arith.addi %parallel_loop3A_357, %parallel_loop3A_397 : i32
        %parallel_loop3A_399 = arith.index_cast %parallel_loop3A_398 : i32 to index
        %parallel_loop3A_400 = tpu.vector_load %arg10[%parallel_loop3A_399] {strides = array<i32>} : memref<8192xf32, #tpu.memory_space<vmem>>, vector<16xf32>,
        %parallel_loop3A_401 = vector.shape_cast %parallel_loop3A_400 : vector<16xf32> to vector<16xf32>
        %parallel_loop3A_402 = arith.index_cast %parallel_loop3A_398 : i32 to index
        %parallel_loop3A_403 = tpu.vector_load %arg14[%parallel_loop3A_402] {strides = array<i32>} : memref<8192xf32, #tpu.memory_space<vmem>>, vector<16xf32>,
        %parallel_loop3A_404 = vector.shape_cast %parallel_loop3A_403 : vector<16xf32> to vector<16xf32>
        %parallel_loop3A_405 = arith.addf %parallel_loop3A_401, %parallel_loop3A_404 : vector<16xf32>
        %parallel_loop3A_406 = arith.index_cast %parallel_loop3A_398 : i32 to index
        %parallel_loop3A_407 = tpu.vector_load %arg10[%parallel_loop3A_406] {strides = array<i32>} : memref<8192xf32, #tpu.memory_space<vmem>>, vector<16xf32>,
        %parallel_loop3A_408 = vector.shape_cast %parallel_loop3A_407 : vector<16xf32> to vector<16xf32>
        %parallel_loop3A_409 = vector.shape_cast %parallel_loop3A_405 : vector<16xf32> to vector<16xf32>
        tpu.vector_store %arg10[%parallel_loop3A_406], %parallel_loop3A_409 {strides = array<i32>} : memref<8192xf32, #tpu.memory_space<vmem>>, vector<16xf32>,
      } {sc.loop_unroll_factor = 2 : i64, sc.parallel_access}
      %mul3A_283 = arith.constant 2 : i32
      %mul3A_284 = arith.muli %mul3A_283, %scan3A_90 : i32
      %add3A_285 = arith.constant 1 : i32
      %add3A_286 = arith.addi %mul3A_284, %add3A_285 : i32
      %add3A_287 = arith.constant 4096 : i32
      %add3A_288 = arith.addi %add3A_287, %mul3A_2 : i32
      %mul3A_289 = arith.constant 4 : i32
      %mul3A_290 = arith.muli %add3A_286, %mul3A_289 : i32
      %add3A_291 = arith.addi %add3A_288, %mul3A_290 : i32
      %mul3A_292 = arith.constant 2048 : i32
      %mul3A_293 = arith.muli %add3A_291, %mul3A_292 : i32
      %dma_start3A_294 = tpu.memref_slice %arg4[%mul3A_293] : memref<33554432xf32, #tpu.memory_space<hbm>> -> memref<8192xf32, #tpu.memory_space<hbm>>
      %dma_start3A_295 = tpu.memref_slice %arg4[%mul3A_293] : memref<33554432xf32, #tpu.memory_space<hbm>> -> memref<8192xf32, #tpu.memory_space<hbm>>
      tpu.enqueue_dma source(%arg10 : memref<8192xf32, #tpu.memory_space<vmem>>) target(%dma_start3A_295 : memref<8192xf32, #tpu.memory_space<hbm>>) target_semaphore(%arg30 : memref<!tpu.dma_semaphore, #tpu.memory_space<semaphore_mem>>)
      %add3A_296 = arith.constant 1 : i32
      %add3A_297 = arith.addi %scan3A_90, %add3A_296 : i32
      %lt3A_298 = arith.constant 16 : i32
      %lt3A_299 = arith.cmpi slt, %add3A_297, %lt3A_298 : i32
      %convert_element_type3A_300 = arith.extui %lt3A_299 : i1 to i32
      %cond3A_301 = arith.constant 0 : i32
      %cond3A_302 = arith.cmpi ne, %convert_element_type3A_300, %cond3A_301 : i32
      scf.if %cond3A_302 {
        %dma_wait3A_357 = arith.constant 0 : i32
        %dma_wait3A_358 = tpu.memref_slice %arg4[%dma_wait3A_357] : memref<33554432xf32, #tpu.memory_space<hbm>> -> memref<8192xf32, #tpu.memory_space<hbm>>
        %dma_wait3A_359 = arith.constant 0 : i32
        %dma_wait3A_360 = tpu.memref_slice %arg4[%dma_wait3A_359] : memref<33554432xf32, #tpu.memory_space<hbm>> -> memref<8192xf32, #tpu.memory_space<hbm>>
        tpu.wait_dma2 semaphore(%arg28 : memref<!tpu.dma_semaphore, #tpu.memory_space<semaphore_mem>>) src(%arg8 : memref<8192xf32, #tpu.memory_space<vmem>>) dst(%dma_wait3A_360 : memref<8192xf32, #tpu.memory_space<hbm>>)
        %add3A_361 = arith.constant 1 : i32
        %add3A_362 = arith.addi %scan3A_90, %add3A_361 : i32
        %mul3A_363 = arith.constant 2 : i32
        %mul3A_364 = arith.muli %mul3A_363, %add3A_362 : i32
        %add3A_365 = arith.constant 0 : i32
        %add3A_366 = arith.addi %mul3A_364, %add3A_365 : i32
        %add3A_367 = arith.constant 12288 : i32
        %add3A_368 = arith.addi %add3A_367, %mul3A_2 : i32
        %mul3A_369 = arith.constant 4 : i32
        %mul3A_370 = arith.muli %add3A_366, %mul3A_369 : i32
        %add3A_371 = arith.addi %add3A_368, %mul3A_370 : i32
        %mul3A_372 = arith.constant 2048 : i32
        %mul3A_373 = arith.muli %add3A_371, %mul3A_372 : i32
        %dma_start3A_374 = tpu.memref_slice %arg2[%mul3A_373] : memref<33554432xf32, #tpu.memory_space<hbm>> -> memref<8192xf32, #tpu.memory_space<hbm>>
        %dma_start3A_375 = tpu.memref_slice %arg2[%mul3A_373] : memref<33554432xf32, #tpu.memory_space<hbm>> -> memref<8192xf32, #tpu.memory_space<hbm>>
        tpu.enqueue_dma source(%dma_start3A_375 : memref<8192xf32, #tpu.memory_space<hbm>>) target(%arg8 : memref<8192xf32, #tpu.memory_space<vmem>>) target_semaphore(%arg18 : memref<!tpu.dma_semaphore, #tpu.memory_space<semaphore_mem>>)
      } else {
      }
      %dma_wait3A_303 = arith.constant 0 : i32
      %dma_wait3A_304 = tpu.memref_slice %arg2[%dma_wait3A_303] : memref<33554432xf32, #tpu.memory_space<hbm>> -> memref<8192xf32, #tpu.memory_space<hbm>>
      %dma_wait3A_305 = arith.constant 0 : i32
      %dma_wait3A_306 = tpu.memref_slice %arg2[%dma_wait3A_305] : memref<33554432xf32, #tpu.memory_space<hbm>> -> memref<8192xf32, #tpu.memory_space<hbm>>
      tpu.wait_dma2 semaphore(%arg21 : memref<!tpu.dma_semaphore, #tpu.memory_space<semaphore_mem>>) src(%dma_wait3A_306 : memref<8192xf32, #tpu.memory_space<hbm>>) dst(%arg11 : memref<8192xf32, #tpu.memory_space<vmem>>)
      %parallel_loop3A_307 = arith.constant 0 : i32
      %parallel_loop3A_308 = arith.constant 8192 : i32
      %parallel_loop3A_309 = arith.constant 64 : i32
      scf.for %parallel_loop3A_357 = %parallel_loop3A_307 to %parallel_loop3A_308 step %parallel_loop3A_309  : i32 {
        %parallel_loop3A_358 = arith.constant 0 : i32
        %parallel_loop3A_359 = arith.addi %parallel_loop3A_357, %parallel_loop3A_358 : i32
        %parallel_loop3A_360 = arith.index_cast %parallel_loop3A_359 : i32 to index
        %parallel_loop3A_361 = tpu.vector_load %arg11[%parallel_loop3A_360] {strides = array<i32>} : memref<8192xf32, #tpu.memory_space<vmem>>, vector<16xf32>,
        %parallel_loop3A_362 = vector.shape_cast %parallel_loop3A_361 : vector<16xf32> to vector<16xf32>
        %parallel_loop3A_363 = arith.index_cast %parallel_loop3A_359 : i32 to index
        %parallel_loop3A_364 = tpu.vector_load %arg14[%parallel_loop3A_363] {strides = array<i32>} : memref<8192xf32, #tpu.memory_space<vmem>>, vector<16xf32>,
        %parallel_loop3A_365 = vector.shape_cast %parallel_loop3A_364 : vector<16xf32> to vector<16xf32>
        %parallel_loop3A_366 = arith.addf %parallel_loop3A_362, %parallel_loop3A_365 : vector<16xf32>
        %parallel_loop3A_367 = arith.index_cast %parallel_loop3A_359 : i32 to index
        %parallel_loop3A_368 = tpu.vector_load %arg11[%parallel_loop3A_367] {strides = array<i32>} : memref<8192xf32, #tpu.memory_space<vmem>>, vector<16xf32>,
        %parallel_loop3A_369 = vector.shape_cast %parallel_loop3A_368 : vector<16xf32> to vector<16xf32>
        %parallel_loop3A_370 = vector.shape_cast %parallel_loop3A_366 : vector<16xf32> to vector<16xf32>
        tpu.vector_store %arg11[%parallel_loop3A_367], %parallel_loop3A_370 {strides = array<i32>} : memref<8192xf32, #tpu.memory_space<vmem>>, vector<16xf32>,
        %parallel_loop3A_371 = arith.constant 16 : i32
        %parallel_loop3A_372 = arith.addi %parallel_loop3A_357, %parallel_loop3A_371 : i32
        %parallel_loop3A_373 = arith.index_cast %parallel_loop3A_372 : i32 to index
        %parallel_loop3A_374 = tpu.vector_load %arg11[%parallel_loop3A_373] {strides = array<i32>} : memref<8192xf32, #tpu.memory_space<vmem>>, vector<16xf32>,
        %parallel_loop3A_375 = vector.shape_cast %parallel_loop3A_374 : vector<16xf32> to vector<16xf32>
        %parallel_loop3A_376 = arith.index_cast %parallel_loop3A_372 : i32 to index
        %parallel_loop3A_377 = tpu.vector_load %arg14[%parallel_loop3A_376] {strides = array<i32>} : memref<8192xf32, #tpu.memory_space<vmem>>, vector<16xf32>,
        %parallel_loop3A_378 = vector.shape_cast %parallel_loop3A_377 : vector<16xf32> to vector<16xf32>
        %parallel_loop3A_379 = arith.addf %parallel_loop3A_375, %parallel_loop3A_378 : vector<16xf32>
        %parallel_loop3A_380 = arith.index_cast %parallel_loop3A_372 : i32 to index
        %parallel_loop3A_381 = tpu.vector_load %arg11[%parallel_loop3A_380] {strides = array<i32>} : memref<8192xf32, #tpu.memory_space<vmem>>, vector<16xf32>,
        %parallel_loop3A_382 = vector.shape_cast %parallel_loop3A_381 : vector<16xf32> to vector<16xf32>
        %parallel_loop3A_383 = vector.shape_cast %parallel_loop3A_379 : vector<16xf32> to vector<16xf32>
        tpu.vector_store %arg11[%parallel_loop3A_380], %parallel_loop3A_383 {strides = array<i32>} : memref<8192xf32, #tpu.memory_space<vmem>>, vector<16xf32>,
        %parallel_loop3A_384 = arith.constant 32 : i32
        %parallel_loop3A_385 = arith.addi %parallel_loop3A_357, %parallel_loop3A_384 : i32
        %parallel_loop3A_386 = arith.index_cast %parallel_loop3A_385 : i32 to index
        %parallel_loop3A_387 = tpu.vector_load %arg11[%parallel_loop3A_386] {strides = array<i32>} : memref<8192xf32, #tpu.memory_space<vmem>>, vector<16xf32>,
        %parallel_loop3A_388 = vector.shape_cast %parallel_loop3A_387 : vector<16xf32> to vector<16xf32>
        %parallel_loop3A_389 = arith.index_cast %parallel_loop3A_385 : i32 to index
        %parallel_loop3A_390 = tpu.vector_load %arg14[%parallel_loop3A_389] {strides = array<i32>} : memref<8192xf32, #tpu.memory_space<vmem>>, vector<16xf32>,
        %parallel_loop3A_391 = vector.shape_cast %parallel_loop3A_390 : vector<16xf32> to vector<16xf32>
        %parallel_loop3A_392 = arith.addf %parallel_loop3A_388, %parallel_loop3A_391 : vector<16xf32>
        %parallel_loop3A_393 = arith.index_cast %parallel_loop3A_385 : i32 to index
        %parallel_loop3A_394 = tpu.vector_load %arg11[%parallel_loop3A_393] {strides = array<i32>} : memref<8192xf32, #tpu.memory_space<vmem>>, vector<16xf32>,
        %parallel_loop3A_395 = vector.shape_cast %parallel_loop3A_394 : vector<16xf32> to vector<16xf32>
        %parallel_loop3A_396 = vector.shape_cast %parallel_loop3A_392 : vector<16xf32> to vector<16xf32>
        tpu.vector_store %arg11[%parallel_loop3A_393], %parallel_loop3A_396 {strides = array<i32>} : memref<8192xf32, #tpu.memory_space<vmem>>, vector<16xf32>,
        %parallel_loop3A_397 = arith.constant 48 : i32
        %parallel_loop3A_398 = arith.addi %parallel_loop3A_357, %parallel_loop3A_397 : i32
        %parallel_loop3A_399 = arith.index_cast %parallel_loop3A_398 : i32 to index
        %parallel_loop3A_400 = tpu.vector_load %arg11[%parallel_loop3A_399] {strides = array<i32>} : memref<8192xf32, #tpu.memory_space<vmem>>, vector<16xf32>,
        %parallel_loop3A_401 = vector.shape_cast %parallel_loop3A_400 : vector<16xf32> to vector<16xf32>
        %parallel_loop3A_402 = arith.index_cast %parallel_loop3A_398 : i32 to index
        %parallel_loop3A_403 = tpu.vector_load %arg14[%parallel_loop3A_402] {strides = array<i32>} : memref<8192xf32, #tpu.memory_space<vmem>>, vector<16xf32>,
        %parallel_loop3A_404 = vector.shape_cast %parallel_loop3A_403 : vector<16xf32> to vector<16xf32>
        %parallel_loop3A_405 = arith.addf %parallel_loop3A_401, %parallel_loop3A_404 : vector<16xf32>
        %parallel_loop3A_406 = arith.index_cast %parallel_loop3A_398 : i32 to index
        %parallel_loop3A_407 = tpu.vector_load %arg11[%parallel_loop3A_406] {strides = array<i32>} : memref<8192xf32, #tpu.memory_space<vmem>>, vector<16xf32>,
        %parallel_loop3A_408 = vector.shape_cast %parallel_loop3A_407 : vector<16xf32> to vector<16xf32>
        %parallel_loop3A_409 = vector.shape_cast %parallel_loop3A_405 : vector<16xf32> to vector<16xf32>
        tpu.vector_store %arg11[%parallel_loop3A_406], %parallel_loop3A_409 {strides = array<i32>} : memref<8192xf32, #tpu.memory_space<vmem>>, vector<16xf32>,
      } {sc.loop_unroll_factor = 2 : i64, sc.parallel_access}
      %mul3A_310 = arith.constant 2 : i32
      %mul3A_311 = arith.muli %mul3A_310, %scan3A_90 : i32
      %add3A_312 = arith.constant 1 : i32
      %add3A_313 = arith.addi %mul3A_311, %add3A_312 : i32
      %add3A_314 = arith.constant 8192 : i32
      %add3A_315 = arith.addi %add3A_314, %mul3A_2 : i32
      %mul3A_316 = arith.constant 4 : i32
      %mul3A_317 = arith.muli %add3A_313, %mul3A_316 : i32
      %add3A_318 = arith.addi %add3A_315, %mul3A_317 : i32
      %mul3A_319 = arith.constant 2048 : i32
      %mul3A_320 = arith.muli %add3A_318, %mul3A_319 : i32
      %dma_start3A_321 = tpu.memref_slice %arg4[%mul3A_320] : memref<33554432xf32, #tpu.memory_space<hbm>> -> memref<8192xf32, #tpu.memory_space<hbm>>
      %dma_start3A_322 = tpu.memref_slice %arg4[%mul3A_320] : memref<33554432xf32, #tpu.memory_space<hbm>> -> memref<8192xf32, #tpu.memory_space<hbm>>
      tpu.enqueue_dma source(%arg11 : memref<8192xf32, #tpu.memory_space<vmem>>) target(%dma_start3A_322 : memref<8192xf32, #tpu.memory_space<hbm>>) target_semaphore(%arg31 : memref<!tpu.dma_semaphore, #tpu.memory_space<semaphore_mem>>)
      %add3A_323 = arith.constant 1 : i32
      %add3A_324 = arith.addi %scan3A_90, %add3A_323 : i32
      %lt3A_325 = arith.constant 16 : i32
      %lt3A_326 = arith.cmpi slt, %add3A_324, %lt3A_325 : i32
      %convert_element_type3A_327 = arith.extui %lt3A_326 : i1 to i32
      %cond3A_328 = arith.constant 0 : i32
      %cond3A_329 = arith.cmpi ne, %convert_element_type3A_327, %cond3A_328 : i32
      scf.if %cond3A_329 {
        %dma_wait3A_357 = arith.constant 0 : i32
        %dma_wait3A_358 = tpu.memref_slice %arg4[%dma_wait3A_357] : memref<33554432xf32, #tpu.memory_space<hbm>> -> memref<8192xf32, #tpu.memory_space<hbm>>
        %dma_wait3A_359 = arith.constant 0 : i32
        %dma_wait3A_360 = tpu.memref_slice %arg4[%dma_wait3A_359] : memref<33554432xf32, #tpu.memory_space<hbm>> -> memref<8192xf32, #tpu.memory_space<hbm>>
        tpu.wait_dma2 semaphore(%arg29 : memref<!tpu.dma_semaphore, #tpu.memory_space<semaphore_mem>>) src(%arg9 : memref<8192xf32, #tpu.memory_space<vmem>>) dst(%dma_wait3A_360 : memref<8192xf32, #tpu.memory_space<hbm>>)
        %add3A_361 = arith.constant 1 : i32
        %add3A_362 = arith.addi %scan3A_90, %add3A_361 : i32
        %mul3A_363 = arith.constant 2 : i32
        %mul3A_364 = arith.muli %mul3A_363, %add3A_362 : i32
        %add3A_365 = arith.constant 1 : i32
        %add3A_366 = arith.addi %mul3A_364, %add3A_365 : i32
        %add3A_367 = arith.constant 0 : i32
        %add3A_368 = arith.addi %add3A_367, %mul3A_2 : i32
        %mul3A_369 = arith.constant 4 : i32
        %mul3A_370 = arith.muli %add3A_366, %mul3A_369 : i32
        %add3A_371 = arith.addi %add3A_368, %mul3A_370 : i32
        %mul3A_372 = arith.constant 2048 : i32
        %mul3A_373 = arith.muli %add3A_371, %mul3A_372 : i32
        %dma_start3A_374 = tpu.memref_slice %arg2[%mul3A_373] : memref<33554432xf32, #tpu.memory_space<hbm>> -> memref<8192xf32, #tpu.memory_space<hbm>>
        %dma_start3A_375 = tpu.memref_slice %arg2[%mul3A_373] : memref<33554432xf32, #tpu.memory_space<hbm>> -> memref<8192xf32, #tpu.memory_space<hbm>>
        tpu.enqueue_dma source(%dma_start3A_375 : memref<8192xf32, #tpu.memory_space<hbm>>) target(%arg9 : memref<8192xf32, #tpu.memory_space<vmem>>) target_semaphore(%arg19 : memref<!tpu.dma_semaphore, #tpu.memory_space<semaphore_mem>>)
      } else {
      }
      %dma_wait3A_330 = arith.constant 0 : i32
      %dma_wait3A_331 = tpu.memref_slice %arg2[%dma_wait3A_330] : memref<33554432xf32, #tpu.memory_space<hbm>> -> memref<8192xf32, #tpu.memory_space<hbm>>
      %dma_wait3A_332 = arith.constant 0 : i32
      %dma_wait3A_333 = tpu.memref_slice %arg2[%dma_wait3A_332] : memref<33554432xf32, #tpu.memory_space<hbm>> -> memref<8192xf32, #tpu.memory_space<hbm>>
      tpu.wait_dma2 semaphore(%arg22 : memref<!tpu.dma_semaphore, #tpu.memory_space<semaphore_mem>>) src(%dma_wait3A_333 : memref<8192xf32, #tpu.memory_space<hbm>>) dst(%arg12 : memref<8192xf32, #tpu.memory_space<vmem>>)
      %parallel_loop3A_334 = arith.constant 0 : i32
      %parallel_loop3A_335 = arith.constant 8192 : i32
      %parallel_loop3A_336 = arith.constant 64 : i32
      scf.for %parallel_loop3A_357 = %parallel_loop3A_334 to %parallel_loop3A_335 step %parallel_loop3A_336  : i32 {
        %parallel_loop3A_358 = arith.constant 0 : i32
        %parallel_loop3A_359 = arith.addi %parallel_loop3A_357, %parallel_loop3A_358 : i32
        %parallel_loop3A_360 = arith.index_cast %parallel_loop3A_359 : i32 to index
        %parallel_loop3A_361 = tpu.vector_load %arg12[%parallel_loop3A_360] {strides = array<i32>} : memref<8192xf32, #tpu.memory_space<vmem>>, vector<16xf32>,
        %parallel_loop3A_362 = vector.shape_cast %parallel_loop3A_361 : vector<16xf32> to vector<16xf32>
        %parallel_loop3A_363 = arith.index_cast %parallel_loop3A_359 : i32 to index
        %parallel_loop3A_364 = tpu.vector_load %arg14[%parallel_loop3A_363] {strides = array<i32>} : memref<8192xf32, #tpu.memory_space<vmem>>, vector<16xf32>,
        %parallel_loop3A_365 = vector.shape_cast %parallel_loop3A_364 : vector<16xf32> to vector<16xf32>
        %parallel_loop3A_366 = arith.addf %parallel_loop3A_362, %parallel_loop3A_365 : vector<16xf32>
        %parallel_loop3A_367 = arith.index_cast %parallel_loop3A_359 : i32 to index
        %parallel_loop3A_368 = tpu.vector_load %arg12[%parallel_loop3A_367] {strides = array<i32>} : memref<8192xf32, #tpu.memory_space<vmem>>, vector<16xf32>,
        %parallel_loop3A_369 = vector.shape_cast %parallel_loop3A_368 : vector<16xf32> to vector<16xf32>
        %parallel_loop3A_370 = vector.shape_cast %parallel_loop3A_366 : vector<16xf32> to vector<16xf32>
        tpu.vector_store %arg12[%parallel_loop3A_367], %parallel_loop3A_370 {strides = array<i32>} : memref<8192xf32, #tpu.memory_space<vmem>>, vector<16xf32>,
        %parallel_loop3A_371 = arith.constant 16 : i32
        %parallel_loop3A_372 = arith.addi %parallel_loop3A_357, %parallel_loop3A_371 : i32
        %parallel_loop3A_373 = arith.index_cast %parallel_loop3A_372 : i32 to index
        %parallel_loop3A_374 = tpu.vector_load %arg12[%parallel_loop3A_373] {strides = array<i32>} : memref<8192xf32, #tpu.memory_space<vmem>>, vector<16xf32>,
        %parallel_loop3A_375 = vector.shape_cast %parallel_loop3A_374 : vector<16xf32> to vector<16xf32>
        %parallel_loop3A_376 = arith.index_cast %parallel_loop3A_372 : i32 to index
        %parallel_loop3A_377 = tpu.vector_load %arg14[%parallel_loop3A_376] {strides = array<i32>} : memref<8192xf32, #tpu.memory_space<vmem>>, vector<16xf32>,
        %parallel_loop3A_378 = vector.shape_cast %parallel_loop3A_377 : vector<16xf32> to vector<16xf32>
        %parallel_loop3A_379 = arith.addf %parallel_loop3A_375, %parallel_loop3A_378 : vector<16xf32>
        %parallel_loop3A_380 = arith.index_cast %parallel_loop3A_372 : i32 to index
        %parallel_loop3A_381 = tpu.vector_load %arg12[%parallel_loop3A_380] {strides = array<i32>} : memref<8192xf32, #tpu.memory_space<vmem>>, vector<16xf32>,
        %parallel_loop3A_382 = vector.shape_cast %parallel_loop3A_381 : vector<16xf32> to vector<16xf32>
        %parallel_loop3A_383 = vector.shape_cast %parallel_loop3A_379 : vector<16xf32> to vector<16xf32>
        tpu.vector_store %arg12[%parallel_loop3A_380], %parallel_loop3A_383 {strides = array<i32>} : memref<8192xf32, #tpu.memory_space<vmem>>, vector<16xf32>,
        %parallel_loop3A_384 = arith.constant 32 : i32
        %parallel_loop3A_385 = arith.addi %parallel_loop3A_357, %parallel_loop3A_384 : i32
        %parallel_loop3A_386 = arith.index_cast %parallel_loop3A_385 : i32 to index
        %parallel_loop3A_387 = tpu.vector_load %arg12[%parallel_loop3A_386] {strides = array<i32>} : memref<8192xf32, #tpu.memory_space<vmem>>, vector<16xf32>,
        %parallel_loop3A_388 = vector.shape_cast %parallel_loop3A_387 : vector<16xf32> to vector<16xf32>
        %parallel_loop3A_389 = arith.index_cast %parallel_loop3A_385 : i32 to index
        %parallel_loop3A_390 = tpu.vector_load %arg14[%parallel_loop3A_389] {strides = array<i32>} : memref<8192xf32, #tpu.memory_space<vmem>>, vector<16xf32>,
        %parallel_loop3A_391 = vector.shape_cast %parallel_loop3A_390 : vector<16xf32> to vector<16xf32>
        %parallel_loop3A_392 = arith.addf %parallel_loop3A_388, %parallel_loop3A_391 : vector<16xf32>
        %parallel_loop3A_393 = arith.index_cast %parallel_loop3A_385 : i32 to index
        %parallel_loop3A_394 = tpu.vector_load %arg12[%parallel_loop3A_393] {strides = array<i32>} : memref<8192xf32, #tpu.memory_space<vmem>>, vector<16xf32>,
        %parallel_loop3A_395 = vector.shape_cast %parallel_loop3A_394 : vector<16xf32> to vector<16xf32>
        %parallel_loop3A_396 = vector.shape_cast %parallel_loop3A_392 : vector<16xf32> to vector<16xf32>
        tpu.vector_store %arg12[%parallel_loop3A_393], %parallel_loop3A_396 {strides = array<i32>} : memref<8192xf32, #tpu.memory_space<vmem>>, vector<16xf32>,
        %parallel_loop3A_397 = arith.constant 48 : i32
        %parallel_loop3A_398 = arith.addi %parallel_loop3A_357, %parallel_loop3A_397 : i32
        %parallel_loop3A_399 = arith.index_cast %parallel_loop3A_398 : i32 to index
        %parallel_loop3A_400 = tpu.vector_load %arg12[%parallel_loop3A_399] {strides = array<i32>} : memref<8192xf32, #tpu.memory_space<vmem>>, vector<16xf32>,
        %parallel_loop3A_401 = vector.shape_cast %parallel_loop3A_400 : vector<16xf32> to vector<16xf32>
        %parallel_loop3A_402 = arith.index_cast %parallel_loop3A_398 : i32 to index
        %parallel_loop3A_403 = tpu.vector_load %arg14[%parallel_loop3A_402] {strides = array<i32>} : memref<8192xf32, #tpu.memory_space<vmem>>, vector<16xf32>,
        %parallel_loop3A_404 = vector.shape_cast %parallel_loop3A_403 : vector<16xf32> to vector<16xf32>
        %parallel_loop3A_405 = arith.addf %parallel_loop3A_401, %parallel_loop3A_404 : vector<16xf32>
        %parallel_loop3A_406 = arith.index_cast %parallel_loop3A_398 : i32 to index
        %parallel_loop3A_407 = tpu.vector_load %arg12[%parallel_loop3A_406] {strides = array<i32>} : memref<8192xf32, #tpu.memory_space<vmem>>, vector<16xf32>,
        %parallel_loop3A_408 = vector.shape_cast %parallel_loop3A_407 : vector<16xf32> to vector<16xf32>
        %parallel_loop3A_409 = vector.shape_cast %parallel_loop3A_405 : vector<16xf32> to vector<16xf32>
        tpu.vector_store %arg12[%parallel_loop3A_406], %parallel_loop3A_409 {strides = array<i32>} : memref<8192xf32, #tpu.memory_space<vmem>>, vector<16xf32>,
      } {sc.loop_unroll_factor = 2 : i64, sc.parallel_access}
      %mul3A_337 = arith.constant 2 : i32
      %mul3A_338 = arith.muli %mul3A_337, %scan3A_90 : i32
      %add3A_339 = arith.constant 1 : i32
      %add3A_340 = arith.addi %mul3A_338, %add3A_339 : i32
      %add3A_341 = arith.constant 12288 : i32
      %add3A_342 = arith.addi %add3A_341, %mul3A_2 : i32
      %mul3A_343 = arith.constant 4 : i32
      %mul3A_344 = arith.muli %add3A_340, %mul3A_343 : i32
      %add3A_345 = arith.addi %add3A_342, %mul3A_344 : i32
      %mul3A_346 = arith.constant 2048 : i32
      %mul3A_347 = arith.muli %add3A_345, %mul3A_346 : i32
      %dma_start3A_348 = tpu.memref_slice %arg4[%mul3A_347] : memref<33554432xf32, #tpu.memory_space<hbm>> -> memref<8192xf32, #tpu.memory_space<hbm>>
      %dma_start3A_349 = tpu.memref_slice %arg4[%mul3A_347] : memref<33554432xf32, #tpu.memory_space<hbm>> -> memref<8192xf32, #tpu.memory_space<hbm>>
      tpu.enqueue_dma source(%arg12 : memref<8192xf32, #tpu.memory_space<vmem>>) target(%dma_start3A_349 : memref<8192xf32, #tpu.memory_space<hbm>>) target_semaphore(%arg32 : memref<!tpu.dma_semaphore, #tpu.memory_space<semaphore_mem>>)
      %add3A_350 = arith.constant 1 : i32
      %add3A_351 = arith.addi %scan3A_90, %add3A_350 : i32
      %lt3A_352 = arith.constant 16 : i32
      %lt3A_353 = arith.cmpi slt, %add3A_351, %lt3A_352 : i32
      %convert_element_type3A_354 = arith.extui %lt3A_353 : i1 to i32
      %cond3A_355 = arith.constant 0 : i32
      %cond3A_356 = arith.cmpi ne, %convert_element_type3A_354, %cond3A_355 : i32
      scf.if %cond3A_356 {
        %add3A_357 = arith.constant 1 : i32
        %add3A_358 = arith.addi %scan3A_90, %add3A_357 : i32
        %mul3A_359 = arith.constant 2 : i32
        %mul3A_360 = arith.muli %mul3A_359, %add3A_358 : i32
        %add3A_361 = arith.constant 1 : i32
        %add3A_362 = arith.addi %mul3A_360, %add3A_361 : i32
        %mul3A_363 = arith.constant 4 : i32
        %mul3A_364 = arith.muli %add3A_362, %mul3A_363 : i32
        %add3A_365 = arith.addi %mul3A_2, %mul3A_364 : i32
        %mul3A_366 = arith.constant 2048 : i32
        %mul3A_367 = arith.muli %add3A_365, %mul3A_366 : i32
        %dma_start3A_368 = tpu.memref_slice %arg3[%mul3A_367] : memref<8388608xf32, #tpu.memory_space<hbm>> -> memref<8192xf32, #tpu.memory_space<hbm>>
        %dma_start3A_369 = tpu.memref_slice %arg3[%mul3A_367] : memref<8388608xf32, #tpu.memory_space<hbm>> -> memref<8192xf32, #tpu.memory_space<hbm>>
        tpu.enqueue_dma source(%dma_start3A_369 : memref<8192xf32, #tpu.memory_space<hbm>>) target(%arg14 : memref<8192xf32, #tpu.memory_space<vmem>>) target_semaphore(%arg24 : memref<!tpu.dma_semaphore, #tpu.memory_space<semaphore_mem>>)
      } else {
      }
    }
    %scan3A_58 = arith.constant 16 : i32
    %dma_wait3A = arith.constant 0 : i32
    %dma_wait3A_59 = tpu.memref_slice %arg4[%dma_wait3A] : memref<33554432xf32, #tpu.memory_space<hbm>> -> memref<8192xf32, #tpu.memory_space<hbm>>
    %dma_wait3A_60 = arith.constant 0 : i32
    %dma_wait3A_61 = tpu.memref_slice %arg4[%dma_wait3A_60] : memref<33554432xf32, #tpu.memory_space<hbm>> -> memref<8192xf32, #tpu.memory_space<hbm>>
    tpu.wait_dma2 semaphore(%arg25 : memref<!tpu.dma_semaphore, #tpu.memory_space<semaphore_mem>>) src(%arg5 : memref<8192xf32, #tpu.memory_space<vmem>>) dst(%dma_wait3A_61 : memref<8192xf32, #tpu.memory_space<hbm>>)
    %dma_wait3A_62 = arith.constant 0 : i32
    %dma_wait3A_63 = tpu.memref_slice %arg4[%dma_wait3A_62] : memref<33554432xf32, #tpu.memory_space<hbm>> -> memref<8192xf32, #tpu.memory_space<hbm>>
    %dma_wait3A_64 = arith.constant 0 : i32
    %dma_wait3A_65 = tpu.memref_slice %arg4[%dma_wait3A_64] : memref<33554432xf32, #tpu.memory_space<hbm>> -> memref<8192xf32, #tpu.memory_space<hbm>>
    tpu.wait_dma2 semaphore(%arg26 : memref<!tpu.dma_semaphore, #tpu.memory_space<semaphore_mem>>) src(%arg6 : memref<8192xf32, #tpu.memory_space<vmem>>) dst(%dma_wait3A_65 : memref<8192xf32, #tpu.memory_space<hbm>>)
    %dma_wait3A_66 = arith.constant 0 : i32
    %dma_wait3A_67 = tpu.memref_slice %arg4[%dma_wait3A_66] : memref<33554432xf32, #tpu.memory_space<hbm>> -> memref<8192xf32, #tpu.memory_space<hbm>>
    %dma_wait3A_68 = arith.constant 0 : i32
    %dma_wait3A_69 = tpu.memref_slice %arg4[%dma_wait3A_68] : memref<33554432xf32, #tpu.memory_space<hbm>> -> memref<8192xf32, #tpu.memory_space<hbm>>
    tpu.wait_dma2 semaphore(%arg27 : memref<!tpu.dma_semaphore, #tpu.memory_space<semaphore_mem>>) src(%arg7 : memref<8192xf32, #tpu.memory_space<vmem>>) dst(%dma_wait3A_69 : memref<8192xf32, #tpu.memory_space<hbm>>)
    %dma_wait3A_70 = arith.constant 0 : i32
    %dma_wait3A_71 = tpu.memref_slice %arg4[%dma_wait3A_70] : memref<33554432xf32, #tpu.memory_space<hbm>> -> memref<8192xf32, #tpu.memory_space<hbm>>
    %dma_wait3A_72 = arith.constant 0 : i32
    %dma_wait3A_73 = tpu.memref_slice %arg4[%dma_wait3A_72] : memref<33554432xf32, #tpu.memory_space<hbm>> -> memref<8192xf32, #tpu.memory_space<hbm>>
    tpu.wait_dma2 semaphore(%arg28 : memref<!tpu.dma_semaphore, #tpu.memory_space<semaphore_mem>>) src(%arg8 : memref<8192xf32, #tpu.memory_space<vmem>>) dst(%dma_wait3A_73 : memref<8192xf32, #tpu.memory_space<hbm>>)
    %dma_wait3A_74 = arith.constant 0 : i32
    %dma_wait3A_75 = tpu.memref_slice %arg4[%dma_wait3A_74] : memref<33554432xf32, #tpu.memory_space<hbm>> -> memref<8192xf32, #tpu.memory_space<hbm>>
    %dma_wait3A_76 = arith.constant 0 : i32
    %dma_wait3A_77 = tpu.memref_slice %arg4[%dma_wait3A_76] : memref<33554432xf32, #tpu.memory_space<hbm>> -> memref<8192xf32, #tpu.memory_space<hbm>>
    tpu.wait_dma2 semaphore(%arg29 : memref<!tpu.dma_semaphore, #tpu.memory_space<semaphore_mem>>) src(%arg9 : memref<8192xf32, #tpu.memory_space<vmem>>) dst(%dma_wait3A_77 : memref<8192xf32, #tpu.memory_space<hbm>>)
    %dma_wait3A_78 = arith.constant 0 : i32
    %dma_wait3A_79 = tpu.memref_slice %arg4[%dma_wait3A_78] : memref<33554432xf32, #tpu.memory_space<hbm>> -> memref<8192xf32, #tpu.memory_space<hbm>>
    %dma_wait3A_80 = arith.constant 0 : i32
    %dma_wait3A_81 = tpu.memref_slice %arg4[%dma_wait3A_80] : memref<33554432xf32, #tpu.memory_space<hbm>> -> memref<8192xf32, #tpu.memory_space<hbm>>
    tpu.wait_dma2 semaphore(%arg30 : memref<!tpu.dma_semaphore, #tpu.memory_space<semaphore_mem>>) src(%arg10 : memref<8192xf32, #tpu.memory_space<vmem>>) dst(%dma_wait3A_81 : memref<8192xf32, #tpu.memory_space<hbm>>)
    %dma_wait3A_82 = arith.constant 0 : i32
    %dma_wait3A_83 = tpu.memref_slice %arg4[%dma_wait3A_82] : memref<33554432xf32, #tpu.memory_space<hbm>> -> memref<8192xf32, #tpu.memory_space<hbm>>
    %dma_wait3A_84 = arith.constant 0 : i32
    %dma_wait3A_85 = tpu.memref_slice %arg4[%dma_wait3A_84] : memref<33554432xf32, #tpu.memory_space<hbm>> -> memref<8192xf32, #tpu.memory_space<hbm>>
    tpu.wait_dma2 semaphore(%arg31 : memref<!tpu.dma_semaphore, #tpu.memory_space<semaphore_mem>>) src(%arg11 : memref<8192xf32, #tpu.memory_space<vmem>>) dst(%dma_wait3A_85 : memref<8192xf32, #tpu.memory_space<hbm>>)
    %dma_wait3A_86 = arith.constant 0 : i32
    %dma_wait3A_87 = tpu.memref_slice %arg4[%dma_wait3A_86] : memref<33554432xf32, #tpu.memory_space<hbm>> -> memref<8192xf32, #tpu.memory_space<hbm>>
    %dma_wait3A_88 = arith.constant 0 : i32
    %dma_wait3A_89 = tpu.memref_slice %arg4[%dma_wait3A_88] : memref<33554432xf32, #tpu.memory_space<hbm>> -> memref<8192xf32, #tpu.memory_space<hbm>>
    tpu.wait_dma2 semaphore(%arg32 : memref<!tpu.dma_semaphore, #tpu.memory_space<semaphore_mem>>) src(%arg12 : memref<8192xf32, #tpu.memory_space<vmem>>) dst(%dma_wait3A_89 : memref<8192xf32, #tpu.memory_space<hbm>>)
    return
  }
}

</mosaic_0001>

<sc_bundles>
// kernel: kernel.3.cloned.1.call-start
scs
__scs_entry_jumppad:
0x0: {  	(pc) =	sbr.rel $0x88, $3  }
0x1: {  	(tag) =	ssettag $0x0;
	lr =	simm.s32 $0x1  }
0x2: {  	[smem:$0x3F9F] =	sst lr;
	_ =	strace $0xD0000000  }
0x3: {  	_ = 	snop  }
0x4: {  	_ = 	snop  }
0x5: {  	_ = 	snop  }
0x6: {  	_ = 	snop  }
0x7: {  	_ = 	snop  }
__scs_overlays_trampoline_lowered:
0x8: {  	[smem:$0x3FAE] =	sst s0  }
0x9: {  	[smem:$0x3FAF] =	sst s1  }
0xa: {  	[smem:$0x3FB0] =	sst s2  }
0xb: {  	[smem:$0x3FB1] =	sst s3  }
0xc: {  	[smem:$0x3FB2] =	sst s4  }
0xd: {  	[smem:$0x3FB3] =	sst s5  }
0xe: {  	[smem:$0x3FB4] =	sst s6  }
0xf: {  	[smem:$0x3FB5] =	sst s7  }
0x10: {  	[smem:$0x3FB6] =	sst s8  }
0x11: {  	[smem:$0x3FB7] =	sst s9;
	s0 =	simm.s32 @!p0 $0x0  }
0x12: {  	s1 =	sld [smem:$0x3F9D];
	s0 =	simm.s32 @p0 $0x1  }
0x13: {  	[smem:$0x3FB8] =	sst s0;
	s0 =	simm.s32 @!p1 $0x0  }
0x14: {  	s2 =	sld [smem:$0x3F9C];
	s0 =	simm.s32 @p1 $0x1  }
0x15: {  	[smem:$0x3FB9] =	sst s0;
	s0 =	simm.s32 @!p2 $0x0  }
0x16: {  	s3 =	sld [smem:$0x3FDB];
	s0 =	simm.s32 @p2 $0x1  }
0x17: {  	s4 =	simm.s32 $0x1BF5;
	[smem:$0x3FBB] =	sst s0  }
0x18: {  	s0 =	sld [smem:$0x3F9E];
	_ =	swait.ge [sflag:s4], $0x0  }
0x19: {  	s7 =	sld [smem:$0x3F9F]  }
0x1a: {  	s8 =	sadd.s32 $0xFFFFE003, lr  }
0x1b: {  	s9 =	sadd.s32 $0xFFFFFEF7, lr;
	s5 =	simm.s32 $0xFFFFFFFF;
	p2 =	slt.u32 s8, $0xFFFFF086  }
0x1c: {  	p1 =	slt.u32 s9, $0xF7A;
	s5 =	simm.s32 @!p2 $0x0  }
0x1d: {  	s5 =	simm.s32 @p1 $0x1;
	p0 =	seq.s32 s7, s2  }
0x1e: {  	s7 =	smul.u32 @!p0 $0xF7A, s2;
	p2 =	seq.s32 @!p0 s5, $0x0  }
0x1f: {  	s9 =	smul.u32 $0xF7A, s1;
	s8 =	simm.s32 @!p0 $0x1BF5;
	p2 =	por !p2, p0  }
0x20: {  	[sflag:s8] =	ssyncset.s32 @!p0 $0xFFFFF086;
	s6 =	sadd.s32 @!p0 s3, s7;
	s7 =	simm.s32 @!p0 $0x108  }
0x21: {  	s3 =	sadd.s32 s3, s9;
	s6 =	sadd.s32 @!p0 $0x88, s6;
	s7 =	simm.s32 @p2 $0x1082  }
0x22: {  	[simem:s7], [sflag:s8] =	dma.local @!p0 [hbm:s6], $0xF7A  }
0x23: {  	s9 =	sor.u32 $0xD0000000, s2;
	s6 =	simm.s32 $0x108;
	_ =	swait.ge @!p0 [sflag:s8], $0x0  }
0x24: {  	s3 =	sadd.s32 $0x88, s3;
	s6 =	simm.s32 @!p1 $0x1082;
	[sflag:s4] =	ssyncset.s32 $0xFFFFF086  }
0x25: {  	[simem:s6], [sflag:s4] =	dma.local [hbm:s3], $0xF7A  }
0x26: {  	[smem:$0x3F9F] =	sst s1;
	(tag) =	ssettag s2;
	_ =	strace s9  }
0x27: {  	s1 =	sld [smem:$0x3FAF]  }
0x28: {  	s2 =	sld [smem:$0x3FB0]  }
0x29: {  	s4 =	sld [smem:$0x3FB2]  }
0x2a: {  	p0 =	seq.s32 s5, $0x0;
	s5 =	sld [smem:$0x3FB3]  }
0x2b: {  	s6 =	sld [smem:$0x3FB4]  }
0x2c: {  	s7 =	sld [smem:$0x3FB5]  }
0x2d: {  	s3 =	simm.s32 $0x108;
	s8 =	sld [smem:$0x3FB6]  }
0x2e: {  	s3 =	simm.s32 @!p0 $0x1082;
	s9 =	sld [smem:$0x3FB7]  }
0x2f: {  	lr =	sadd.s32 s0, s3;
	s0 =	sld [smem:$0x3FAE]  }
0x30: {  	s3 =	sld [smem:$0x3FB1]  }
0x31: {  	[smem:$0x3FBA] =	sst s10  }
0x32: {  	s10 =	sld [smem:$0x3FB8];
	_ =	sdelay $0x3  }
0x33: {  	p0 =	seq.s32 s10, $0x1;
	s10 =	sld [smem:$0x3FBA];
	_ =	sdelay $0x3  }
0x34: {  	[smem:$0x3FBA] =	sst s10  }
0x35: {  	s10 =	sld [smem:$0x3FB9];
	_ =	sdelay $0x3  }
0x36: {  	p1 =	seq.s32 s10, $0x1;
	s10 =	sld [smem:$0x3FBA];
	_ =	sdelay $0x3  }
0x37: {  	[smem:$0x3FBA] =	sst s10  }
0x38: {  	s10 =	sld [smem:$0x3FBB]  }
0x39: {  	_ = 	snop;
	(pc) =	sbr.ind lr, $3  }
0x3a: {  	_ = 	snop  }
0x3b: {  	_ = 	snop  }
0x3c: {  	p2 =	seq.s32 s10, $0x1;
	s10 =	sld [smem:$0x3FBA]  }
0x3d: {  	_ =	shalt  }
0x3e: {  	_ =	shalt  }
0x3f: {  	_ =	shalt  }
0x40: {  	_ =	shalt  }
0x41: {  	_ =	shalt  }
0x42: {  	_ =	shalt  }
0x43: {  	_ =	shalt  }
0x44: {  	_ =	shalt  }
0x45: {  	_ =	shalt  }
0x46: {  	_ =	shalt  }
0x47: {  	_ =	shalt  }
0x48: {  	_ =	shalt  }
0x49: {  	_ =	shalt  }
0x4a: {  	_ =	shalt  }
0x4b: {  	_ =	shalt  }
0x4c: {  	_ =	shalt  }
0x4d: {  	_ =	shalt  }
0x4e: {  	_ =	shalt  }
0x4f: {  	_ =	shalt  }
0x50: {  	_ =	shalt  }
0x51: {  	_ =	shalt  }
0x52: {  	_ =	shalt  }
0x53: {  	_ =	shalt  }
0x54: {  	_ =	shalt  }
0x55: {  	_ =	shalt  }
0x56: {  	_ =	shalt  }
0x57: {  	_ =	shalt  }
0x58: {  	_ =	shalt  }
0x59: {  	_ =	shalt  }
0x5a: {  	_ =	shalt  }
0x5b: {  	_ =	shalt  }
0x5c: {  	_ =	shalt  }
0x5d: {  	_ =	shalt  }
0x5e: {  	_ =	shalt  }
0x5f: {  	_ =	shalt  }
0x60: {  	_ =	shalt  }
0x61: {  	_ =	shalt  }
0x62: {  	_ =	shalt  }
0x63: {  	_ =	shalt  }
0x64: {  	_ =	shalt  }
0x65: {  	_ =	shalt  }
0x66: {  	_ =	shalt  }
0x67: {  	_ =	shalt  }
0x68: {  	_ =	shalt  }
0x69: {  	_ =	shalt  }
0x6a: {  	_ =	shalt  }
0x6b: {  	_ =	shalt  }
0x6c: {  	_ =	shalt  }
0x6d: {  	_ =	shalt  }
0x6e: {  	_ =	shalt  }
0x6f: {  	_ =	shalt  }
0x70: {  	_ =	shalt  }
0x71: {  	_ =	shalt  }
0x72: {  	_ =	shalt  }
0x73: {  	_ =	shalt  }
0x74: {  	_ =	shalt  }
0x75: {  	_ =	shalt  }
0x76: {  	_ =	shalt  }
0x77: {  	_ =	shalt  }
0x78: {  	_ =	shalt  }
0x79: {  	_ =	shalt  }
0x7a: {  	_ =	shalt  }
0x7b: {  	_ =	shalt  }
0x7c: {  	_ =	shalt  }
0x7d: {  	_ =	shalt  }
0x7e: {  	_ =	shalt  }
0x7f: {  	_ =	shalt  }
0x80: {  	_ =	shalt  }
0x81: {  	_ =	shalt  }
0x82: {  	_ =	shalt  }
0x83: {  	_ =	shalt  }
0x84: {  	_ =	shalt  }
0x85: {  	_ =	shalt  }
0x86: {  	_ =	shalt  }
0x87: {  	_ =	shalt  }
.Lfunc_end0:
.L_simem_size_0:
called_computation.2_lowered:
.L_overlay_start_0:
0x88: {  	s2 =	sld [smem:$0x3FD9]  }
0x89: {  	s3 =	sld [smem:$0x3FFE];
	_ =	sdelay $0x1  }
0x8a: {  	s1 =	srdreg.scid  }
0x8b: {  	s0 =	sand.u32 $0x1, s1  }
0x8c: {  	s17 =	sshll.u32 s0, $0xA;
	s2 =	sadd.s32 s3, s2  }
0x8d: {  	s2 =	sadd.s32 s2, s17  }
0x8e: {  	[smem:$0x3FC6] =	sst s2  }
0x8f: {  	_ = 	snop  }
0x90: {  	s2 =	sld [smem:$0x3FD0];
	(tm) =	ssettm $0x1  }
0x91: {  	s18 =	sld [smem:$0x3FFB];
	_ =	sdelay $0x3  }
0x92: {  	_ =	strace s18  }
0x93: {  	s3 =	sld [smem:$0x3FFC];
	_ =	sdelay $0x3  }
0x94: {  	_ =	strace s3  }
0x95: {  	s3 =	sld [smem:$0x3FFD];
	_ =	sdelay $0x3  }
0x96: {  	_ =	strace s3  }
0x97: {  	_ =	strace $0x8FFFFFFF  }
0x98: {  	s19 =	sld [smem:$0x3FDB];
	_ =	sdelay $0x1  }
0x99: {  	s4 =	simm.s32 $_scs_section_size  }
0x9a: {  	s5 =	simm.s32 $_size__tile_overlayer_lowered;
	s6 =	simm.s32 $_tile_overlayer_lowered  }
0x9b: {  	s22 =	simm.s32 $0x1BFF;
	s21 =	sshll.u32 s6, $0x1;
	s3 =	sadd.s32 s4, s19  }
0x9c: {  	s7 =	simm.s32 $0x0;
	s20 =	sshll.u32 s5, $0x1;
	s5 =	sadd.s32 s21, s3  }
0x9d: {  	[timem:s7], [sflag:s22] =	dma.local [hbm:s5], s20  }
0x9e: {  	_ =	swait.ge [sflag:s22], s20  }
0x9f: {  	s4 =	ssub.s32 $0x0, s20;
	[sflag:s22] =	ssyncset.done $0x0  }
0xa0: {  	[sflag:s22] =	ssyncadd.s32 s4;
	_ =	sdelay $0x1  }
0xa1: {  	s23 =	simm.s32 $0x1B8B  }
0xa2: {  	_ =	swait.ge [sflag:s23], $0x1  }
0xa3: {  	[sflag:s23] =	ssyncset.done $0x0  }
0xa4: {  	s25 =	simm.s32 $0x1B8E;
	s24 =	sld [smem:$0x3FFE];
	[sflag:s23] =	ssyncadd.s32 $0xFFFFFFFF  }
0xa5: {  	s26 =	simm.s32 $execute0_lowered;
	[smem:$0x3FD2] =	sst s25  }
0xa6: {  	s5 =	sshll.u32 s26, $0x1;
	_ =	strace $0x8000004C;
	[dreg:$0x1] =	wrdreg $0xFFFFFFFF  }
0xa7: {  	s28 =	simm.s32 $_size_execute0_lowered;
	s3 =	sadd.s32 s3, s5;
	[dreg:$0x0] =	wrdreg $0x0  }
0xa8: {  	s5 =	sshll.u32 s28, $0x1;
	[dreg:$0x2] =	wrdreg s3  }
0xa9: {  	[dreg:$0x3] =	wrdreg s5  }
0xaa: {  	[dreg:$0x4] =	wrdreg $0xC0  }
0xab: {  	_ =	task [dreg:s7], $0x5FFFF  }
0xac: {  	[dreg:$0x1] =	wrdreg $0xFFFFFFFF  }
0xad: {  	[dreg:$0x0] =	wrdreg $0x60  }
0xae: {  	[dreg:$0x2] =	wrdreg s2  }
0xaf: {  	[dreg:$0x3] =	wrdreg s24  }
0xb0: {  	[dreg:$0x4] =	wrdreg $0x9  }
0xb1: {  	_ =	task.clear_ibuf [dreg:s7], $0x5FFFF;
	_ =	strace $0x9000004C  }
0xb2: {  	s29 =	simm.s32 $0x9;
	_ =	strace $0x8000004E  }
0xb3: {  	_ =	swait.ge [sflag:s29], $0x1  }
0xb4: {  	[sflag:s29] =	ssyncadd.s32 $0xFFFFFFFF  }
0xb5: {  	_ =	strace $0x9000004E  }
0xb6: {  	_ =	sfence  }
0xb7: {  	s30 =	sld [smem:$0x0];
	_ =	sdelay $0x2  }
0xb8: {  	s31 =	sshll.u32 s1, $0xD;
	s1 =	sshrl.u32 s1, $0x2  }
0xb9: {  	s3 =	sand.u32 $0x4000, s31;
	s1 =	sadd.s32 s1, s30  }
0xba: {  	s0 =	sor.u32 s3, s0;
	s1 =	sshll.u32 s1, $0x11  }
0xbb: {  	s0 =	sor.u32 s1, s0  }
0xbc: {  	s0 =	sadd.s32 $0x8F2B, s0  }
0xbd: {  	[sflag:s0] =	ssyncadd.remote.s32 $0x1  }
0xbe: {  	_ =	sfence.sel $0xFFFF  }
0xbf: {  	[dreg:$0x0] =	wrdreg $0xFFFFFFFF;
	(pc) =	sbr.abs _section_cstart, $3  }
0xc0: {  	[dreg:$0x1] =	wrdreg $0xFFFFFFFF  }
0xc1: {  	_ =	task.clear_ibuf [dreg:s7], $0x2FFFF;
	_ =	strace $0x9FFFFFFF  }
0xc2: {  	(tm) =	ssettm $0x7FFFFFFF  }
0xc3: {  	_ =	shalt  }
tec
execute0_lowered:
.L_overlay_start_1:
0x0: {  	(tag) =	ssettag $0x1  }
0x1: {  	s1 =	rddreg [dreg:$0x0]  }
0x2: {  	s0 =	rddreg [dreg:$0x1];
	s3 =	simm.s32 $0x0  }
0x3: {  	s2 =	srdreg.scid;
	s4 =	stileid.u32;
	s28 =	simm.s32 $0xA000  }
0x4: {  	s30 =	simm.s32 $0xC000;
	s29 =	simm.s32 $0x2;
	s15 =	simm.s32 $0xE000  }
0x5: {  	s31 =	simm.s32 $0x3;
	s18 =	simm.s32 $0x5;
	s19 =	simm.s32 $0x6  }
0x6: {  	s13 =	simm.s32 $0x8;
	s9 =	simm.s32 $0x0;
	[smem:$0x7FF] =	sst s3  }
0x7: {  	s2 =	sand.u32 $0x1, s2;
	s4 =	sshll.u32 s4, $0x1;
	s7 =	sadd.s32 $0xC00, s0  }
0x8: {  	s5 =	sadd.s32 $0x100C00, s0;
	_ =	strace $0x8000004D;
	s6 =	ssub.s32 $0x2, s2  }
0x9: {  	s2 =	sor.u32 s2, s4;
	[dreg:$0x3] =	wrdreg s7;
	s20 =	sshrl.u32 s6, $0x1  }
0xa: {  	s4 =	sshll.u32 s2, $0xF;
	s0 =	ssub.s32 s6, s20;
	s6 =	sshll.u32 s2, $0x7  }
0xb: {  	s21 =	sor.u32 $0x400, s4;
	s8 =	sadd.s32 s7, s4;
	s4 =	sadd.s32 s1, s4  }
0xc: {  	s2 =	simm.s32 $0xA;
	[dreg:$0x4] =	wrdreg s8;
	s7 =	sadd.s32 s7, s21  }
0xd: {  	[dreg:$0x6] =	wrdreg s4;
	s10 =	sor.u32 $0x1000, s6;
	s11 =	sor.u32 $0x2000, s6  }
0xe: {  	s12 =	sor.u32 $0x3000, s6;
	s16 =	sadd.s32 s1, s21;
	s0 =	smax.u32 s0, $0x1  }
0xf: {  	[dreg:$0x5] =	wrdreg s7;
	s22 =	sshll.u32 s10, $0x8;
	s23 =	sshll.u32 s11, $0x8  }
0x10: {  	s24 =	sshll.u32 s12, $0x8;
	[dreg:$0xa] =	wrdreg s0;
	s4 =	sadd.s32 s1, s22  }
0x11: {  	s0 =	simm.s32 $0x4;
	s25 =	sadd.s32 s1, s23;
	[dreg:$0x7] =	wrdreg s4  }
0x12: {  	s7 =	simm.s32 $0x7;
	s26 =	sadd.s32 s1, s24;
	[dreg:$0x8] =	wrdreg s25  }
0x13: {  	[dreg:$0x9] =	wrdreg s26;
	s25 =	simm.s32 $0x9;
	s26 =	simm.s32 $0x1  }
.LBB2_1:
0x14: {  	[dreg:$0xb] =	wrdreg s9  }
0x15: {  	s4 =	rddreg [dreg:$0x4];
	s8 =	simm.s32 $0x10000  }
0x16: {  	[tilespmem:s8], [sflag:$0x9] =	stream.linear.gather [hbm4b:s4+s3], $0x2000, $0x38;
	[tilespmem:$0x14000] =	vst v63  }
0x17: {  	s23 =	rddreg [dreg:$0x5];
	s24 =	simm.s32 $0x12000  }
0x18: {  	[tilespmem:s24], [sflag:$0xA] =	stream.linear.gather [hbm4b:s23+s3], $0x2000, $0x38;
	[tilespmem:$0x14000] =	vst v63  }
0x19: {  	s9 =	rddreg [dreg:$0x6]  }
0x1a: {  	[tilespmem:s3], [sflag:$0x1] =	stream.linear.gather [hbm4b:s9+s3], $0x2000, $0x38;
	[tilespmem:$0x14000] =	vst v63  }
0x1b: {  	s14 =	rddreg [dreg:$0x7];
	s17 =	simm.s32 $0x2000  }
0x1c: {  	[tilespmem:s17], [sflag:$0x2] =	stream.linear.gather [hbm4b:s14+s3], $0x2000, $0x38;
	[tilespmem:$0x14000] =	vst v63  }
0x1d: {  	s20 =	rddreg [dreg:$0x8];
	s21 =	simm.s32 $0x4000  }
0x1e: {  	[tilespmem:s21], [sflag:$0x3] =	stream.linear.gather [hbm4b:s20+s3], $0x2000, $0x38;
	[tilespmem:$0x14000] =	vst v63  }
0x1f: {  	s22 =	rddreg [dreg:$0x9];
	s23 =	simm.s32 $0x6000  }
0x20: {  	[tilespmem:s23], [sflag:$0x4] =	stream.linear.gather [hbm4b:s22+s3], $0x2000, $0x38;
	[tilespmem:$0x14000] =	vst v63  }
0x21: {  	s24 =	simm.s32 $0x8000;
	s23 =	simm.s32 $0x0  }
0x22: {  	[tilespmem:s24], [sflag:$0x5] =	stream.linear.gather [hbm4b:s16+s3], $0x2000, $0x38;
	[tilespmem:$0x14000] =	vst v63  }
.LBB2_2:
0x23: {  	s24 =	sshll.u32 s23, $0x3  }
0x24: {  	p0 =	seq.s32 s23, $0x0;
	s22 =	sor.u32 $0x4, s24  }
0x25: {  	s4 =	simm.s32 @!p0 $0x10;
	s8 =	sadd.s32 s10, s22  }
0x26: {  	_ =	swait.ge @!p0 [sflag:s4], $0x2000;
	s8 =	sshll.u32 s8, $0x8  }
0x27: {  	[sflag:s4] =	ssyncset.done @!p0 $0x0;
	s17 =	sand.u32 $0x1FFFFC00, s8  }
0x28: {  	[sflag:s4] =	ssyncadd.s32 @!p0 $0xFFFFE000;
	s21 =	sadd.s32 s1, s17  }
0x29: {  	[tilespmem:s28], [sflag:$0x6] =	stream.linear.gather [hbm4b:s21+s3], $0x2000, $0x38;
	[tilespmem:$0x14000] =	vst v63  }
0x2a: {  	_ =	swait.ge [sflag:s25], $0x2000  }
0x2b: {  	[sflag:s25] =	ssyncset.done $0x0  }
0x2c: {  	[sflag:s25] =	ssyncadd.s32 $0xFFFFE000  }
0x2d: {  	_ =	swait.ge [sflag:s26], $0x2000  }
0x2e: {  	[sflag:s26] =	ssyncset.done $0x0  }
0x2f: {  	s4 =	simm.s32 $0x40;
	[sflag:s26] =	ssyncadd.s32 $0xFFFFE000  }
0x30: {  	s28 =	simm.s32 $0x10040;
	v0 =	vld [tilespmem:s4+$0x0]  }
0x31: {  	v1 =	vld [tilespmem:s28+$0x0];
	_ =	sdelay $0x1  }
0x32: {  	v2 =	vld [tilespmem:s28+$0xFFFFFFC0]  }
0x33: {  	v3 =	vld [tilespmem:s4+$0xFFFFFFC0];
	_ =	sdelay $0x1  }
0x34: {  	v0 =	vadd.f32 v1, v0;
	_ =	sdelay $0x1  }
0x35: {  	[tilespmem:s4+$0x0] =	vst v0;
	v0 =	vld [tilespmem:s4+$0x10]  }
0x36: {  	v1 =	vadd.f32 v2, v3;
	v2 =	vld [tilespmem:s28+$0x10]  }
0x37: {  	v4 =	vld [tilespmem:s4+$0xFFFFFFE0]  }
0x38: {  	v5 =	vld [tilespmem:s4+$0x20]  }
0x39: {  	v3 =	vld [tilespmem:s4+$0xFFFFFFD0];
	[tilespmem:s4+$0xFFFFFFC0] =	vst v1  }
0x3a: {  	s20 =	simm.s32 $0xC0;
	v1 =	vld [tilespmem:s28+$0xFFFFFFD0]  }
0x3b: {  	s21 =	simm.s32 $0x100C0;
	v6 =	vld [tilespmem:s20+$0x0];
	v0 =	vadd.f32 v2, v0  }
0x3c: {  	v7 =	vld [tilespmem:s21+$0x0]  }
0x3d: {  	v9 =	vld [tilespmem:s21+$0xFFFFFFC0];
	[tilespmem:s4+$0x10] =	vst v0  }
0x3e: {  	v8 =	vld [tilespmem:s28+$0x20]  }
0x3f: {  	v1 =	vadd.f32 v1, v3;
	v3 =	vld [tilespmem:s20+$0xFFFFFFC0]  }
0x40: {  	v2 =	vld [tilespmem:s20+$0xFFFFFFD0]  }
0x41: {  	v0 =	vld [tilespmem:s4+$0xFFFFFFF0];
	[tilespmem:s4+$0xFFFFFFD0] =	vst v1;
	v1 =	vadd.f32 v7, v6  }
0x42: {  	v6 =	vld [tilespmem:s28+$0xFFFFFFE0]  }
0x43: {  	v7 =	vld [tilespmem:s4+$0x30];
	[tilespmem:s20+$0x0] =	vst v1;
	v5 =	vadd.f32 v8, v5  }
0x44: {  	v1 =	vadd.f32 v9, v3;
	v9 =	vld [tilespmem:s21+$0x10]  }
0x45: {  	v8 =	vld [tilespmem:s20+$0x10];
	[tilespmem:s4+$0x20] =	vst v5  }
0x46: {  	v10 =	vld [tilespmem:s28+$0x30]  }
0x47: {  	v3 =	vld [tilespmem:s20+$0xFFFFFFF0];
	[tilespmem:s20+$0xFFFFFFC0] =	vst v1;
	v4 =	vadd.f32 v6, v4  }
0x48: {  	v6 =	vld [tilespmem:s21+$0xFFFFFFD0]  }
0x49: {  	v1 =	vld [tilespmem:s20+$0xFFFFFFE0];
	[tilespmem:s4+$0xFFFFFFE0] =	vst v4  }
0x4a: {  	v4 =	vld [tilespmem:s28+$0xFFFFFFF0];
	v8 =	vadd.f32 v9, v8  }
0x4b: {  	s9 =	simm.s32 $0x80;
	s14 =	simm.s32 $0x140;
	s8 =	simm.s32 $0x100C0;
	v5 =	vld [tilespmem:s20+$0x20];
	v7 =	vadd.f32 v10, v7  }
.LBB2_3:
0x4c: {  	v9 =	vld [tilespmem:s14+$0x0];
	[tilespmem:s20+$0x10] =	vst v8;
	s21 =	sadd.s32 $0x80, s21  }
0x4d: {  	v8 =	vld [tilespmem:s21+$0x0];
	v2 =	vadd.f32 v6, v2;
	[tilespmem:s4+$0x30] =	vst v7  }
0x4e: {  	s9 =	sadd.s32 $0x80, s9;
	v6 =	vld [tilespmem:s8+$0x20]  }
0x4f: {  	p1 =	slt.u32 s9, $0x1F80;
	v7 =	vld [tilespmem:s21+$0xFFFFFFC0];
	[tilespmem:s20+$0xFFFFFFD0] =	vst v2;
	v4 =	vadd.f32 v4, v0;
	v0 =	vmov v3  }
0x50: {  	v3 =	vld [tilespmem:s14+$0xFFFFFFC0]  }
0x51: {  	v2 =	vld [tilespmem:s14+$0xFFFFFFD0];
	[tilespmem:s4+$0xFFFFFFF0] =	vst v4;
	s4 =	smov.u32 s20;
	s20 =	smov.u32 s14  }
0x52: {  	v4 =	vadd.f32 v8, v9;
	v8 =	vld [tilespmem:s8+$0xFFFFFFE0]  }
0x53: {  	v5 =	vadd.f32 v6, v5;
	v9 =	vld [tilespmem:s4+$0x30]  }
0x54: {  	[tilespmem:s14+$0x0] =	vst v4;
	v4 =	vld [tilespmem:s14+$0x10]  }
0x55: {  	v3 =	vadd.f32 v7, v3;
	v7 =	vld [tilespmem:s21+$0x10];
	[tilespmem:s4+$0x20] =	vst v5  }
0x56: {  	v10 =	vld [tilespmem:s8+$0x30]  }
.Ltmp0:
0x57: {  	[tilespmem:s14+$0xFFFFFFC0] =	vst v3;
	v5 =	vadd.f32 v8, v1;
	v1 =	vld [tilespmem:s14+$0xFFFFFFE0];
	(pc) =	sbr.rel @p1 .LBB2_3-.Ltmp0, $4  }
0x58: {  	v6 =	vld [tilespmem:s21+$0xFFFFFFD0]  }
0x59: {  	v3 =	vld [tilespmem:s14+$0xFFFFFFF0];
	[tilespmem:s4+$0xFFFFFFE0] =	vst v5  }
0x5a: {  	v8 =	vadd.f32 v7, v4;
	v4 =	vld [tilespmem:s8+$0xFFFFFFF0];
	s8 =	smov.u32 s21  }
0x5b: {  	s14 =	sadd.s32 $0x80, s14;
	v5 =	vld [tilespmem:s20+$0x20];
	v7 =	vadd.f32 v10, v9  }
0x5c: {  	_ = 	snop  }
0x5d: {  	v2 =	vadd.f32 v6, v2  }
0x5e: {  	[tilespmem:s20+$0x10] =	vst v8  }
0x5f: {  	v6 =	vld [tilespmem:s8+$0x20];
	[tilespmem:s20+$0xFFFFFFD0] =	vst v2  }
0x60: {  	v2 =	vld [tilespmem:s8+$0xFFFFFFE0];
	_ =	sdelay $0x3  }
0x61: {  	v5 =	vadd.f32 v6, v5  }
0x62: {  	v1 =	vadd.f32 v2, v1  }
0x63: {  	v6 =	vld [tilespmem:s20+$0x30];
	[tilespmem:s20+$0x20] =	vst v5  }
0x64: {  	v2 =	vld [tilespmem:s8+$0x30];
	[tilespmem:s20+$0xFFFFFFE0] =	vst v1  }
0x65: {  	v1 =	vld [tilespmem:s8+$0xFFFFFFF0];
	_ =	sdelay $0x2  }
0x66: {  	v0 =	vadd.f32 v4, v0  }
0x67: {  	[tilespmem:s4+$0x30] =	vst v7;
	v2 =	vadd.f32 v2, v6  }
0x68: {  	s14 =	sadd.s32 s6, s24;
	[tilespmem:s4+$0xFFFFFFF0] =	vst v0;
	v0 =	vadd.f32 v1, v3  }
0x69: {  	s4 =	sshll.u32 s14, $0x8;
	[tilespmem:s20+$0x30] =	vst v2  }
0x6a: {  	s4 =	sadd.s32 s5, s4;
	[tilespmem:s20+$0xFFFFFFF0] =	vst v0  }
0x6b: {  	[hbm4b:s4+s3] =	stream.linear.scatter [tilespmem:s3], [sflag:$0xB], $0x2000, $0x38;
	[tilespmem:$0x14000] =	vst v63  }
0x6c: {  	s20 =	sadd.s32 s11, s22;
	s4 =	simm.s32 @!p0 $0x11  }
0x6d: {  	s8 =	sshll.u32 s20, $0x8;
	_ =	swait.ge @!p0 [sflag:s4], $0x2000  }
0x6e: {  	s20 =	sand.u32 $0x1FFFFC00, s8;
	[sflag:s4] =	ssyncset.done @!p0 $0x0  }
0x6f: {  	s21 =	sadd.s32 s1, s20;
	[sflag:s4] =	ssyncadd.s32 @!p0 $0xFFFFE000  }
0x70: {  	[tilespmem:s30], [sflag:$0x7] =	stream.linear.gather [hbm4b:s21+s3], $0x2000, $0x38;
	[tilespmem:$0x14000] =	vst v63  }
0x71: {  	_ =	swait.ge [sflag:s29], $0x2000  }
0x72: {  	[sflag:s29] =	ssyncset.done $0x0  }
0x73: {  	s4 =	simm.s32 $0x2040;
	[sflag:s29] =	ssyncadd.s32 $0xFFFFE000  }
0x74: {  	s30 =	simm.s32 $0x10040;
	v0 =	vld [tilespmem:s4+$0x0]  }
0x75: {  	v1 =	vld [tilespmem:s30+$0x0];
	_ =	sdelay $0x1  }
0x76: {  	v2 =	vld [tilespmem:s30+$0xFFFFFFC0]  }
0x77: {  	v3 =	vld [tilespmem:s4+$0xFFFFFFC0];
	_ =	sdelay $0x1  }
0x78: {  	v0 =	vadd.f32 v1, v0;
	_ =	sdelay $0x1  }
0x79: {  	[tilespmem:s4+$0x0] =	vst v0;
	v0 =	vld [tilespmem:s4+$0x10]  }
0x7a: {  	v1 =	vadd.f32 v2, v3;
	v2 =	vld [tilespmem:s30+$0x10]  }
0x7b: {  	v4 =	vld [tilespmem:s4+$0xFFFFFFE0]  }
0x7c: {  	v5 =	vld [tilespmem:s4+$0x20]  }
0x7d: {  	v3 =	vld [tilespmem:s4+$0xFFFFFFD0];
	[tilespmem:s4+$0xFFFFFFC0] =	vst v1  }
0x7e: {  	s21 =	simm.s32 $0x20C0;
	v1 =	vld [tilespmem:s30+$0xFFFFFFD0]  }
0x7f: {  	s28 =	simm.s32 $0x100C0;
	v6 =	vld [tilespmem:s21+$0x0];
	v0 =	vadd.f32 v2, v0  }
0x80: {  	v7 =	vld [tilespmem:s28+$0x0]  }
0x81: {  	v9 =	vld [tilespmem:s28+$0xFFFFFFC0];
	[tilespmem:s4+$0x10] =	vst v0  }
0x82: {  	v8 =	vld [tilespmem:s30+$0x20]  }
0x83: {  	v1 =	vadd.f32 v1, v3;
	v3 =	vld [tilespmem:s21+$0xFFFFFFC0]  }
0x84: {  	v2 =	vld [tilespmem:s21+$0xFFFFFFD0]  }
0x85: {  	v0 =	vld [tilespmem:s4+$0xFFFFFFF0];
	[tilespmem:s4+$0xFFFFFFD0] =	vst v1;
	v1 =	vadd.f32 v7, v6  }
0x86: {  	v6 =	vld [tilespmem:s30+$0xFFFFFFE0]  }
0x87: {  	v7 =	vld [tilespmem:s4+$0x30];
	[tilespmem:s21+$0x0] =	vst v1;
	v5 =	vadd.f32 v8, v5  }
0x88: {  	v1 =	vadd.f32 v9, v3;
	v9 =	vld [tilespmem:s28+$0x10]  }
0x89: {  	v8 =	vld [tilespmem:s21+$0x10];
	[tilespmem:s4+$0x20] =	vst v5  }
0x8a: {  	v10 =	vld [tilespmem:s30+$0x30]  }
0x8b: {  	v3 =	vld [tilespmem:s21+$0xFFFFFFF0];
	[tilespmem:s21+$0xFFFFFFC0] =	vst v1;
	v4 =	vadd.f32 v6, v4  }
0x8c: {  	v6 =	vld [tilespmem:s28+$0xFFFFFFD0]  }
0x8d: {  	v1 =	vld [tilespmem:s21+$0xFFFFFFE0];
	[tilespmem:s4+$0xFFFFFFE0] =	vst v4  }
0x8e: {  	v4 =	vld [tilespmem:s30+$0xFFFFFFF0];
	v8 =	vadd.f32 v9, v8  }
0x8f: {  	s9 =	simm.s32 $0x80;
	s14 =	simm.s32 $0x2140;
	s8 =	simm.s32 $0x100C0;
	v5 =	vld [tilespmem:s21+$0x20];
	v7 =	vadd.f32 v10, v7  }
.LBB2_5:
0x90: {  	v9 =	vld [tilespmem:s14+$0x0];
	[tilespmem:s21+$0x10] =	vst v8;
	s28 =	sadd.s32 $0x80, s28  }
0x91: {  	v8 =	vld [tilespmem:s28+$0x0];
	v2 =	vadd.f32 v6, v2;
	[tilespmem:s4+$0x30] =	vst v7  }
0x92: {  	s9 =	sadd.s32 $0x80, s9;
	v6 =	vld [tilespmem:s8+$0x20]  }
0x93: {  	p1 =	slt.u32 s9, $0x1F80;
	v7 =	vld [tilespmem:s28+$0xFFFFFFC0];
	[tilespmem:s21+$0xFFFFFFD0] =	vst v2;
	v4 =	vadd.f32 v4, v0;
	v0 =	vmov v3  }
0x94: {  	v3 =	vld [tilespmem:s14+$0xFFFFFFC0]  }
0x95: {  	v2 =	vld [tilespmem:s14+$0xFFFFFFD0];
	[tilespmem:s4+$0xFFFFFFF0] =	vst v4;
	s4 =	smov.u32 s21;
	s21 =	smov.u32 s14  }
0x96: {  	v4 =	vadd.f32 v8, v9;
	v8 =	vld [tilespmem:s8+$0xFFFFFFE0]  }
0x97: {  	v5 =	vadd.f32 v6, v5;
	v9 =	vld [tilespmem:s4+$0x30]  }
0x98: {  	[tilespmem:s14+$0x0] =	vst v4;
	v4 =	vld [tilespmem:s14+$0x10]  }
0x99: {  	v3 =	vadd.f32 v7, v3;
	v7 =	vld [tilespmem:s28+$0x10];
	[tilespmem:s4+$0x20] =	vst v5  }
0x9a: {  	v10 =	vld [tilespmem:s8+$0x30]  }
.Ltmp1:
0x9b: {  	[tilespmem:s14+$0xFFFFFFC0] =	vst v3;
	v5 =	vadd.f32 v8, v1;
	v1 =	vld [tilespmem:s14+$0xFFFFFFE0];
	(pc) =	sbr.rel @p1 .LBB2_5-.Ltmp1, $4  }
0x9c: {  	v6 =	vld [tilespmem:s28+$0xFFFFFFD0]  }
0x9d: {  	v3 =	vld [tilespmem:s14+$0xFFFFFFF0];
	[tilespmem:s4+$0xFFFFFFE0] =	vst v5  }
0x9e: {  	v8 =	vadd.f32 v7, v4;
	v4 =	vld [tilespmem:s8+$0xFFFFFFF0];
	s8 =	smov.u32 s28  }
0x9f: {  	s14 =	sadd.s32 $0x80, s14;
	v5 =	vld [tilespmem:s21+$0x20];
	v7 =	vadd.f32 v10, v9  }
0xa0: {  	_ = 	snop  }
0xa1: {  	v2 =	vadd.f32 v6, v2  }
0xa2: {  	[tilespmem:s21+$0x10] =	vst v8  }
0xa3: {  	v6 =	vld [tilespmem:s8+$0x20];
	[tilespmem:s21+$0xFFFFFFD0] =	vst v2  }
0xa4: {  	v2 =	vld [tilespmem:s8+$0xFFFFFFE0];
	_ =	sdelay $0x3  }
0xa5: {  	v5 =	vadd.f32 v6, v5  }
0xa6: {  	v1 =	vadd.f32 v2, v1  }
0xa7: {  	v6 =	vld [tilespmem:s21+$0x30];
	[tilespmem:s21+$0x20] =	vst v5  }
0xa8: {  	v2 =	vld [tilespmem:s8+$0x30];
	[tilespmem:s21+$0xFFFFFFE0] =	vst v1  }
0xa9: {  	v1 =	vld [tilespmem:s8+$0xFFFFFFF0];
	_ =	sdelay $0x2  }
0xaa: {  	v0 =	vadd.f32 v4, v0  }
0xab: {  	s9 =	sadd.s32 s10, s24;
	[tilespmem:s4+$0x30] =	vst v7;
	v2 =	vadd.f32 v2, v6  }
0xac: {  	s14 =	sshll.u32 s9, $0x8;
	[tilespmem:s4+$0xFFFFFFF0] =	vst v0;
	v0 =	vadd.f32 v1, v3  }
0xad: {  	s4 =	sand.u32 $0x1FFFF800, s14;
	[tilespmem:s21+$0x30] =	vst v2  }
0xae: {  	s4 =	sadd.s32 s5, s4;
	[tilespmem:s21+$0xFFFFFFF0] =	vst v0;
	s21 =	simm.s32 $0x2000  }
0xaf: {  	[hbm4b:s4+s3] =	stream.linear.scatter [tilespmem:s21], [sflag:$0xC], $0x2000, $0x38;
	[tilespmem:$0x14000] =	vst v63  }
0xb0: {  	s9 =	sadd.s32 s12, s22;
	s4 =	simm.s32 @!p0 $0x12  }
0xb1: {  	s8 =	sshll.u32 s9, $0x8;
	_ =	swait.ge @!p0 [sflag:s4], $0x2000  }
0xb2: {  	s21 =	sand.u32 $0x1FFFFC00, s8;
	[sflag:s4] =	ssyncset.done @!p0 $0x0  }
0xb3: {  	s14 =	sadd.s32 s1, s21;
	[sflag:s4] =	ssyncadd.s32 @!p0 $0xFFFFE000  }
0xb4: {  	[tilespmem:s15], [sflag:$0x8] =	stream.linear.gather [hbm4b:s14+s3], $0x2000, $0x38;
	[tilespmem:$0x14000] =	vst v63  }
0xb5: {  	_ =	swait.ge [sflag:s31], $0x2000  }
0xb6: {  	[sflag:s31] =	ssyncset.done $0x0  }
0xb7: {  	s4 =	simm.s32 $0x4040;
	[sflag:s31] =	ssyncadd.s32 $0xFFFFE000  }
0xb8: {  	s15 =	simm.s32 $0x10040;
	v0 =	vld [tilespmem:s4+$0x0]  }
0xb9: {  	v1 =	vld [tilespmem:s15+$0x0];
	_ =	sdelay $0x1  }
0xba: {  	v2 =	vld [tilespmem:s15+$0xFFFFFFC0]  }
0xbb: {  	v3 =	vld [tilespmem:s4+$0xFFFFFFC0];
	_ =	sdelay $0x1  }
0xbc: {  	v0 =	vadd.f32 v1, v0;
	_ =	sdelay $0x1  }
0xbd: {  	[tilespmem:s4+$0x0] =	vst v0;
	v0 =	vld [tilespmem:s4+$0x10]  }
0xbe: {  	v1 =	vadd.f32 v2, v3;
	v2 =	vld [tilespmem:s15+$0x10]  }
0xbf: {  	v4 =	vld [tilespmem:s4+$0xFFFFFFE0]  }
0xc0: {  	v5 =	vld [tilespmem:s4+$0x20]  }
0xc1: {  	v3 =	vld [tilespmem:s4+$0xFFFFFFD0];
	[tilespmem:s4+$0xFFFFFFC0] =	vst v1  }
0xc2: {  	s28 =	simm.s32 $0x40C0;
	v1 =	vld [tilespmem:s15+$0xFFFFFFD0]  }
0xc3: {  	s30 =	simm.s32 $0x100C0;
	v6 =	vld [tilespmem:s28+$0x0];
	v0 =	vadd.f32 v2, v0  }
0xc4: {  	v7 =	vld [tilespmem:s30+$0x0]  }
0xc5: {  	v9 =	vld [tilespmem:s30+$0xFFFFFFC0];
	[tilespmem:s4+$0x10] =	vst v0  }
0xc6: {  	v8 =	vld [tilespmem:s15+$0x20]  }
0xc7: {  	v1 =	vadd.f32 v1, v3;
	v3 =	vld [tilespmem:s28+$0xFFFFFFC0]  }
0xc8: {  	v2 =	vld [tilespmem:s28+$0xFFFFFFD0]  }
0xc9: {  	v0 =	vld [tilespmem:s4+$0xFFFFFFF0];
	[tilespmem:s4+$0xFFFFFFD0] =	vst v1;
	v1 =	vadd.f32 v7, v6  }
0xca: {  	v6 =	vld [tilespmem:s15+$0xFFFFFFE0]  }
0xcb: {  	v7 =	vld [tilespmem:s4+$0x30];
	[tilespmem:s28+$0x0] =	vst v1;
	v5 =	vadd.f32 v8, v5  }
0xcc: {  	v1 =	vadd.f32 v9, v3;
	v9 =	vld [tilespmem:s30+$0x10]  }
0xcd: {  	v8 =	vld [tilespmem:s28+$0x10];
	[tilespmem:s4+$0x20] =	vst v5  }
0xce: {  	v10 =	vld [tilespmem:s15+$0x30]  }
0xcf: {  	v3 =	vld [tilespmem:s28+$0xFFFFFFF0];
	[tilespmem:s28+$0xFFFFFFC0] =	vst v1;
	v4 =	vadd.f32 v6, v4  }
0xd0: {  	v6 =	vld [tilespmem:s30+$0xFFFFFFD0]  }
0xd1: {  	v1 =	vld [tilespmem:s28+$0xFFFFFFE0];
	[tilespmem:s4+$0xFFFFFFE0] =	vst v4  }
0xd2: {  	v4 =	vld [tilespmem:s15+$0xFFFFFFF0];
	v8 =	vadd.f32 v9, v8  }
0xd3: {  	s9 =	simm.s32 $0x80;
	s8 =	simm.s32 $0x100C0;
	s14 =	simm.s32 $0x4140;
	v5 =	vld [tilespmem:s28+$0x20];
	v7 =	vadd.f32 v10, v7  }
.LBB2_7:
0xd4: {  	v9 =	vld [tilespmem:s14+$0x0];
	[tilespmem:s28+$0x10] =	vst v8;
	s30 =	sadd.s32 $0x80, s30  }
0xd5: {  	v8 =	vld [tilespmem:s30+$0x0];
	v2 =	vadd.f32 v6, v2;
	[tilespmem:s4+$0x30] =	vst v7  }
0xd6: {  	s9 =	sadd.s32 $0x80, s9;
	v6 =	vld [tilespmem:s8+$0x20]  }
0xd7: {  	p0 =	slt.u32 s9, $0x1F80;
	v7 =	vld [tilespmem:s30+$0xFFFFFFC0];
	[tilespmem:s28+$0xFFFFFFD0] =	vst v2;
	v4 =	vadd.f32 v4, v0;
	v0 =	vmov v3  }
0xd8: {  	v3 =	vld [tilespmem:s14+$0xFFFFFFC0]  }
0xd9: {  	v2 =	vld [tilespmem:s14+$0xFFFFFFD0];
	[tilespmem:s4+$0xFFFFFFF0] =	vst v4;
	s4 =	smov.u32 s28;
	s28 =	smov.u32 s14  }
0xda: {  	v4 =	vadd.f32 v8, v9;
	v8 =	vld [tilespmem:s8+$0xFFFFFFE0]  }
0xdb: {  	v5 =	vadd.f32 v6, v5;
	v9 =	vld [tilespmem:s4+$0x30]  }
0xdc: {  	[tilespmem:s14+$0x0] =	vst v4;
	v4 =	vld [tilespmem:s14+$0x10]  }
0xdd: {  	v3 =	vadd.f32 v7, v3;
	v7 =	vld [tilespmem:s30+$0x10];
	[tilespmem:s4+$0x20] =	vst v5  }
0xde: {  	v10 =	vld [tilespmem:s8+$0x30]  }
.Ltmp2:
0xdf: {  	[tilespmem:s14+$0xFFFFFFC0] =	vst v3;
	v5 =	vadd.f32 v8, v1;
	v1 =	vld [tilespmem:s14+$0xFFFFFFE0];
	(pc) =	sbr.rel @p0 .LBB2_7-.Ltmp2, $4  }
0xe0: {  	v6 =	vld [tilespmem:s30+$0xFFFFFFD0]  }
0xe1: {  	v3 =	vld [tilespmem:s14+$0xFFFFFFF0];
	[tilespmem:s4+$0xFFFFFFE0] =	vst v5  }
0xe2: {  	v8 =	vadd.f32 v7, v4;
	v4 =	vld [tilespmem:s8+$0xFFFFFFF0];
	s8 =	smov.u32 s30  }
0xe3: {  	s14 =	sadd.s32 $0x80, s14;
	v5 =	vld [tilespmem:s28+$0x20];
	v7 =	vadd.f32 v10, v9  }
0xe4: {  	_ = 	snop  }
0xe5: {  	v2 =	vadd.f32 v6, v2  }
0xe6: {  	[tilespmem:s28+$0x10] =	vst v8  }
0xe7: {  	v6 =	vld [tilespmem:s8+$0x20];
	[tilespmem:s28+$0xFFFFFFD0] =	vst v2  }
0xe8: {  	v2 =	vld [tilespmem:s8+$0xFFFFFFE0];
	_ =	sdelay $0x3  }
0xe9: {  	v5 =	vadd.f32 v6, v5  }
0xea: {  	v1 =	vadd.f32 v2, v1  }
0xeb: {  	v6 =	vld [tilespmem:s28+$0x30];
	[tilespmem:s28+$0x20] =	vst v5  }
0xec: {  	v2 =	vld [tilespmem:s8+$0x30];
	[tilespmem:s28+$0xFFFFFFE0] =	vst v1  }
0xed: {  	v1 =	vld [tilespmem:s8+$0xFFFFFFF0];
	_ =	sdelay $0x2  }
0xee: {  	v0 =	vadd.f32 v4, v0  }
0xef: {  	s15 =	sadd.s32 s11, s24;
	[tilespmem:s4+$0x30] =	vst v7;
	v2 =	vadd.f32 v2, v6  }
0xf0: {  	s9 =	sshll.u32 s15, $0x8;
	[tilespmem:s4+$0xFFFFFFF0] =	vst v0;
	v0 =	vadd.f32 v1, v3  }
0xf1: {  	p0 =	seq.s32 s23, $0xF;
	s4 =	sand.u32 $0x1FFFF800, s9;
	[tilespmem:s28+$0x30] =	vst v2  }
0xf2: {  	s14 =	simm.s32 $0x4000;
	s4 =	sadd.s32 s5, s4;
	s8 =	simm.s32 @!p0 $0xB;
	[tilespmem:s28+$0xFFFFFFF0] =	vst v0  }
0xf3: {  	[hbm4b:s4+s3] =	stream.linear.scatter [tilespmem:s14], [sflag:$0xD], $0x2000, $0x38;
	[tilespmem:$0x14000] =	vst v63  }
0xf4: {  	_ =	swait.ge @!p0 [sflag:s8], $0x2000  }
0xf5: {  	s23 =	sadd.s32 $0x1, s23;
	[sflag:s8] =	ssyncset.done @!p0 $0x0  }
0xf6: {  	s4 =	sshll.u32 @!p0 s23, $0xB;
	[sflag:s8] =	ssyncadd.s32 @!p0 $0xFFFFE000;
	s8 =	rddreg [dreg:$0x6]  }
0xf7: {  	s9 =	simm.s32 @!p0 $0x0;
	s8 =	sadd.s32 @!p0 s4, s8  }
0xf8: {  	[tilespmem:s9], [sflag:$0x1] =	stream.linear.gather @!p0 [hbm4b:s8+s9], $0x2000, $0x38;
	[tilespmem:$0x14000] =	vst v63  }
0xf9: {  	_ =	swait.ge [sflag:s0], $0x2000  }
0xfa: {  	[sflag:s0] =	ssyncset.done $0x0  }
0xfb: {  	s28 =	simm.s32 $0x6040;
	[sflag:s0] =	ssyncadd.s32 $0xFFFFE000  }
0xfc: {  	s15 =	simm.s32 $0x10040;
	v0 =	vld [tilespmem:s28+$0x0]  }
0xfd: {  	v1 =	vld [tilespmem:s15+$0x0];
	_ =	sdelay $0x1  }
0xfe: {  	v2 =	vld [tilespmem:s15+$0xFFFFFFC0]  }
0xff: {  	v3 =	vld [tilespmem:s28+$0xFFFFFFC0];
	_ =	sdelay $0x1  }
0x100: {  	v0 =	vadd.f32 v1, v0;
	_ =	sdelay $0x1  }
0x101: {  	[tilespmem:s28+$0x0] =	vst v0;
	v0 =	vld [tilespmem:s28+$0x10]  }
0x102: {  	v1 =	vadd.f32 v2, v3;
	v2 =	vld [tilespmem:s15+$0x10]  }
0x103: {  	v4 =	vld [tilespmem:s28+$0xFFFFFFE0]  }
0x104: {  	v5 =	vld [tilespmem:s28+$0x20]  }
0x105: {  	v3 =	vld [tilespmem:s28+$0xFFFFFFD0];
	[tilespmem:s28+$0xFFFFFFC0] =	vst v1  }
0x106: {  	s30 =	simm.s32 $0x60C0;
	v1 =	vld [tilespmem:s15+$0xFFFFFFD0]  }
0x107: {  	s8 =	simm.s32 $0x100C0;
	v6 =	vld [tilespmem:s30+$0x0];
	v0 =	vadd.f32 v2, v0  }
0x108: {  	v7 =	vld [tilespmem:s8+$0x0]  }
0x109: {  	v9 =	vld [tilespmem:s8+$0xFFFFFFC0];
	[tilespmem:s28+$0x10] =	vst v0  }
0x10a: {  	v8 =	vld [tilespmem:s15+$0x20]  }
0x10b: {  	v1 =	vadd.f32 v1, v3;
	v3 =	vld [tilespmem:s30+$0xFFFFFFC0]  }
0x10c: {  	v2 =	vld [tilespmem:s30+$0xFFFFFFD0]  }
0x10d: {  	v0 =	vld [tilespmem:s28+$0xFFFFFFF0];
	[tilespmem:s28+$0xFFFFFFD0] =	vst v1;
	v1 =	vadd.f32 v7, v6  }
0x10e: {  	v6 =	vld [tilespmem:s15+$0xFFFFFFE0]  }
0x10f: {  	v7 =	vld [tilespmem:s28+$0x30];
	[tilespmem:s30+$0x0] =	vst v1;
	v5 =	vadd.f32 v8, v5  }
0x110: {  	v1 =	vadd.f32 v9, v3;
	v9 =	vld [tilespmem:s8+$0x10]  }
0x111: {  	v8 =	vld [tilespmem:s30+$0x10];
	[tilespmem:s28+$0x20] =	vst v5  }
0x112: {  	v10 =	vld [tilespmem:s15+$0x30]  }
0x113: {  	v3 =	vld [tilespmem:s30+$0xFFFFFFF0];
	[tilespmem:s30+$0xFFFFFFC0] =	vst v1;
	v4 =	vadd.f32 v6, v4  }
0x114: {  	v6 =	vld [tilespmem:s8+$0xFFFFFFD0]  }
0x115: {  	v1 =	vld [tilespmem:s30+$0xFFFFFFE0];
	[tilespmem:s28+$0xFFFFFFE0] =	vst v4  }
0x116: {  	v4 =	vld [tilespmem:s15+$0xFFFFFFF0];
	v8 =	vadd.f32 v9, v8  }
0x117: {  	s14 =	simm.s32 $0x80;
	s9 =	simm.s32 $0x100C0;
	v5 =	vld [tilespmem:s30+$0x20];
	s15 =	simm.s32 $0x6140;
	v7 =	vadd.f32 v10, v7  }
.LBB2_9:
0x118: {  	v9 =	vld [tilespmem:s15+$0x0];
	[tilespmem:s30+$0x10] =	vst v8;
	s8 =	sadd.s32 $0x80, s8  }
0x119: {  	v8 =	vld [tilespmem:s8+$0x0];
	v2 =	vadd.f32 v6, v2;
	[tilespmem:s28+$0x30] =	vst v7  }
0x11a: {  	s14 =	sadd.s32 $0x80, s14;
	v6 =	vld [tilespmem:s9+$0x20]  }
0x11b: {  	p1 =	slt.u32 s14, $0x1F80;
	v7 =	vld [tilespmem:s8+$0xFFFFFFC0];
	[tilespmem:s30+$0xFFFFFFD0] =	vst v2;
	v4 =	vadd.f32 v4, v0;
	v0 =	vmov v3  }
0x11c: {  	v3 =	vld [tilespmem:s15+$0xFFFFFFC0]  }
0x11d: {  	v2 =	vld [tilespmem:s15+$0xFFFFFFD0];
	[tilespmem:s28+$0xFFFFFFF0] =	vst v4;
	s28 =	smov.u32 s30;
	s30 =	smov.u32 s15  }
0x11e: {  	v4 =	vadd.f32 v8, v9;
	v8 =	vld [tilespmem:s9+$0xFFFFFFE0]  }
0x11f: {  	v5 =	vadd.f32 v6, v5;
	v9 =	vld [tilespmem:s28+$0x30]  }
0x120: {  	[tilespmem:s15+$0x0] =	vst v4;
	v4 =	vld [tilespmem:s15+$0x10]  }
0x121: {  	v3 =	vadd.f32 v7, v3;
	v7 =	vld [tilespmem:s8+$0x10];
	[tilespmem:s28+$0x20] =	vst v5  }
0x122: {  	v10 =	vld [tilespmem:s9+$0x30]  }
.Ltmp3:
0x123: {  	[tilespmem:s15+$0xFFFFFFC0] =	vst v3;
	v5 =	vadd.f32 v8, v1;
	v1 =	vld [tilespmem:s15+$0xFFFFFFE0];
	(pc) =	sbr.rel @p1 .LBB2_9-.Ltmp3, $4  }
0x124: {  	v6 =	vld [tilespmem:s8+$0xFFFFFFD0]  }
0x125: {  	v3 =	vld [tilespmem:s15+$0xFFFFFFF0];
	[tilespmem:s28+$0xFFFFFFE0] =	vst v5  }
0x126: {  	v8 =	vadd.f32 v7, v4;
	v4 =	vld [tilespmem:s9+$0xFFFFFFF0];
	s9 =	smov.u32 s8  }
0x127: {  	s15 =	sadd.s32 $0x80, s15;
	v5 =	vld [tilespmem:s30+$0x20];
	v7 =	vadd.f32 v10, v9  }
0x128: {  	_ = 	snop  }
0x129: {  	v2 =	vadd.f32 v6, v2  }
0x12a: {  	[tilespmem:s30+$0x10] =	vst v8  }
0x12b: {  	v6 =	vld [tilespmem:s9+$0x20];
	[tilespmem:s30+$0xFFFFFFD0] =	vst v2  }
0x12c: {  	v2 =	vld [tilespmem:s9+$0xFFFFFFE0];
	_ =	sdelay $0x3  }
0x12d: {  	v5 =	vadd.f32 v6, v5  }
0x12e: {  	v1 =	vadd.f32 v2, v1  }
0x12f: {  	v6 =	vld [tilespmem:s30+$0x30];
	[tilespmem:s30+$0x20] =	vst v5  }
0x130: {  	v2 =	vld [tilespmem:s9+$0x30];
	[tilespmem:s30+$0xFFFFFFE0] =	vst v1  }
0x131: {  	v1 =	vld [tilespmem:s9+$0xFFFFFFF0];
	_ =	sdelay $0x2  }
0x132: {  	v0 =	vadd.f32 v4, v0  }
0x133: {  	s8 =	sadd.s32 s12, s24;
	[tilespmem:s28+$0x30] =	vst v7;
	v2 =	vadd.f32 v2, v6  }
0x134: {  	s8 =	sshll.u32 s8, $0x8;
	[tilespmem:s28+$0xFFFFFFF0] =	vst v0;
	v0 =	vadd.f32 v1, v3  }
0x135: {  	s8 =	sand.u32 $0x1FFFF800, s8;
	[tilespmem:s30+$0x30] =	vst v2  }
0x136: {  	s24 =	simm.s32 $0x6000;
	s8 =	sadd.s32 s5, s8;
	[tilespmem:s30+$0xFFFFFFF0] =	vst v0  }
0x137: {  	[hbm4b:s8+s3] =	stream.linear.scatter [tilespmem:s24], [sflag:$0xE], $0x2000, $0x38;
	[tilespmem:$0x14000] =	vst v63  }
0x138: {  	s8 =	sshll.u32 @!p0 s23, $0x3  }
0x139: {  	s9 =	sadd.s32 @!p0 s6, s8  }
0x13a: {  	s9 =	sshll.u32 @!p0 s9, $0x8  }
0x13b: {  	s14 =	rddreg [dreg:$0x3];
	s9 =	sand.u32 @!p0 $0x1FFFF800, s9  }
0x13c: {  	s15 =	simm.s32 @!p0 $0x10000;
	s9 =	sadd.s32 @!p0 s14, s9;
	s14 =	simm.s32 @!p0 $0x0  }
0x13d: {  	[tilespmem:s15], [sflag:$0x9] =	stream.linear.gather @!p0 [hbm4b:s9+s14], $0x2000, $0x38;
	[tilespmem:$0x14000] =	vst v63  }
0x13e: {  	s8 =	sadd.s32 @!p0 s10, s8;
	s9 =	simm.s32 @!p0 $0xC  }
0x13f: {  	s8 =	sshll.u32 @!p0 s8, $0x8;
	_ =	swait.ge @!p0 [sflag:s9], $0x2000  }
0x140: {  	s8 =	sand.u32 @!p0 $0x1FFFF800, s8;
	[sflag:s9] =	ssyncset.done @!p0 $0x0  }
0x141: {  	s8 =	sadd.s32 @!p0 s1, s8;
	[sflag:s9] =	ssyncadd.s32 @!p0 $0xFFFFE000;
	s9 =	simm.s32 @!p0 $0x2000  }
0x142: {  	[tilespmem:s9], [sflag:$0x2] =	stream.linear.gather @!p0 [hbm4b:s8+s14], $0x2000, $0x38;
	[tilespmem:$0x14000] =	vst v63  }
0x143: {  	_ =	swait.ge [sflag:s2], $0x2000  }
0x144: {  	[sflag:s2] =	ssyncset.done $0x0  }
0x145: {  	[sflag:s2] =	ssyncadd.s32 $0xFFFFE000  }
0x146: {  	_ =	swait.ge [sflag:s18], $0x2000  }
0x147: {  	[sflag:s18] =	ssyncset.done $0x0  }
0x148: {  	s24 =	simm.s32 $0x8040;
	[sflag:s18] =	ssyncadd.s32 $0xFFFFE000  }
0x149: {  	s30 =	simm.s32 $0x12040;
	v0 =	vld [tilespmem:s24+$0x0]  }
0x14a: {  	v1 =	vld [tilespmem:s30+$0x0];
	_ =	sdelay $0x1  }
0x14b: {  	v2 =	vld [tilespmem:s30+$0xFFFFFFC0]  }
0x14c: {  	v3 =	vld [tilespmem:s24+$0xFFFFFFC0];
	_ =	sdelay $0x1  }
0x14d: {  	v0 =	vadd.f32 v1, v0;
	_ =	sdelay $0x1  }
0x14e: {  	[tilespmem:s24+$0x0] =	vst v0;
	v0 =	vld [tilespmem:s24+$0x10]  }
0x14f: {  	v1 =	vadd.f32 v2, v3;
	v2 =	vld [tilespmem:s30+$0x10]  }
0x150: {  	v4 =	vld [tilespmem:s24+$0xFFFFFFE0]  }
0x151: {  	v5 =	vld [tilespmem:s24+$0x20]  }
0x152: {  	v3 =	vld [tilespmem:s24+$0xFFFFFFD0];
	[tilespmem:s24+$0xFFFFFFC0] =	vst v1  }
0x153: {  	s28 =	simm.s32 $0x80C0;
	v1 =	vld [tilespmem:s30+$0xFFFFFFD0]  }
0x154: {  	s8 =	simm.s32 $0x120C0;
	v6 =	vld [tilespmem:s28+$0x0];
	v0 =	vadd.f32 v2, v0  }
0x155: {  	v7 =	vld [tilespmem:s8+$0x0]  }
0x156: {  	v9 =	vld [tilespmem:s8+$0xFFFFFFC0];
	[tilespmem:s24+$0x10] =	vst v0  }
0x157: {  	v8 =	vld [tilespmem:s30+$0x20]  }
0x158: {  	v1 =	vadd.f32 v1, v3;
	v3 =	vld [tilespmem:s28+$0xFFFFFFC0]  }
0x159: {  	v2 =	vld [tilespmem:s28+$0xFFFFFFD0]  }
0x15a: {  	v0 =	vld [tilespmem:s24+$0xFFFFFFF0];
	[tilespmem:s24+$0xFFFFFFD0] =	vst v1;
	v1 =	vadd.f32 v7, v6  }
0x15b: {  	v6 =	vld [tilespmem:s30+$0xFFFFFFE0]  }
0x15c: {  	v7 =	vld [tilespmem:s24+$0x30];
	[tilespmem:s28+$0x0] =	vst v1;
	v5 =	vadd.f32 v8, v5  }
0x15d: {  	v1 =	vadd.f32 v9, v3;
	v9 =	vld [tilespmem:s8+$0x10]  }
0x15e: {  	v8 =	vld [tilespmem:s28+$0x10];
	[tilespmem:s24+$0x20] =	vst v5  }
0x15f: {  	v10 =	vld [tilespmem:s30+$0x30]  }
0x160: {  	v3 =	vld [tilespmem:s28+$0xFFFFFFF0];
	[tilespmem:s28+$0xFFFFFFC0] =	vst v1;
	v4 =	vadd.f32 v6, v4  }
0x161: {  	v6 =	vld [tilespmem:s8+$0xFFFFFFD0]  }
0x162: {  	v1 =	vld [tilespmem:s28+$0xFFFFFFE0];
	[tilespmem:s24+$0xFFFFFFE0] =	vst v4  }
0x163: {  	v4 =	vld [tilespmem:s30+$0xFFFFFFF0];
	v8 =	vadd.f32 v9, v8  }
0x164: {  	s15 =	simm.s32 $0x8140;
	s14 =	simm.s32 $0x80;
	s9 =	simm.s32 $0x120C0;
	v5 =	vld [tilespmem:s28+$0x20];
	v7 =	vadd.f32 v10, v7  }
.LBB2_11:
0x165: {  	v9 =	vld [tilespmem:s15+$0x0];
	[tilespmem:s28+$0x10] =	vst v8;
	s8 =	sadd.s32 $0x80, s8  }
0x166: {  	v8 =	vld [tilespmem:s8+$0x0];
	v2 =	vadd.f32 v6, v2;
	[tilespmem:s24+$0x30] =	vst v7  }
0x167: {  	s14 =	sadd.s32 $0x80, s14;
	v6 =	vld [tilespmem:s9+$0x20]  }
0x168: {  	p1 =	slt.u32 s14, $0x1F80;
	v7 =	vld [tilespmem:s8+$0xFFFFFFC0];
	[tilespmem:s28+$0xFFFFFFD0] =	vst v2;
	v4 =	vadd.f32 v4, v0;
	v0 =	vmov v3  }
0x169: {  	v3 =	vld [tilespmem:s15+$0xFFFFFFC0]  }
0x16a: {  	v2 =	vld [tilespmem:s15+$0xFFFFFFD0];
	[tilespmem:s24+$0xFFFFFFF0] =	vst v4;
	s24 =	smov.u32 s28;
	s28 =	smov.u32 s15  }
0x16b: {  	v4 =	vadd.f32 v8, v9;
	v8 =	vld [tilespmem:s9+$0xFFFFFFE0]  }
0x16c: {  	v5 =	vadd.f32 v6, v5;
	v9 =	vld [tilespmem:s24+$0x30]  }
0x16d: {  	[tilespmem:s15+$0x0] =	vst v4;
	v4 =	vld [tilespmem:s15+$0x10]  }
0x16e: {  	v3 =	vadd.f32 v7, v3;
	v7 =	vld [tilespmem:s8+$0x10];
	[tilespmem:s24+$0x20] =	vst v5  }
0x16f: {  	v10 =	vld [tilespmem:s9+$0x30]  }
.Ltmp4:
0x170: {  	[tilespmem:s15+$0xFFFFFFC0] =	vst v3;
	v5 =	vadd.f32 v8, v1;
	v1 =	vld [tilespmem:s15+$0xFFFFFFE0];
	(pc) =	sbr.rel @p1 .LBB2_11-.Ltmp4, $4  }
0x171: {  	v6 =	vld [tilespmem:s8+$0xFFFFFFD0]  }
0x172: {  	v3 =	vld [tilespmem:s15+$0xFFFFFFF0];
	[tilespmem:s24+$0xFFFFFFE0] =	vst v5  }
0x173: {  	v8 =	vadd.f32 v7, v4;
	v4 =	vld [tilespmem:s9+$0xFFFFFFF0];
	s9 =	smov.u32 s8  }
0x174: {  	s15 =	sadd.s32 $0x80, s15;
	v5 =	vld [tilespmem:s28+$0x20];
	v7 =	vadd.f32 v10, v9  }
0x175: {  	_ = 	snop  }
0x176: {  	v2 =	vadd.f32 v6, v2  }
0x177: {  	[tilespmem:s28+$0x10] =	vst v8  }
0x178: {  	v6 =	vld [tilespmem:s9+$0x20];
	[tilespmem:s28+$0xFFFFFFD0] =	vst v2  }
0x179: {  	v2 =	vld [tilespmem:s9+$0xFFFFFFE0];
	_ =	sdelay $0x3  }
0x17a: {  	v5 =	vadd.f32 v6, v5  }
0x17b: {  	v1 =	vadd.f32 v2, v1  }
0x17c: {  	v6 =	vld [tilespmem:s28+$0x30];
	[tilespmem:s28+$0x20] =	vst v5  }
0x17d: {  	v2 =	vld [tilespmem:s9+$0x30];
	[tilespmem:s28+$0xFFFFFFE0] =	vst v1  }
0x17e: {  	v1 =	vld [tilespmem:s9+$0xFFFFFFF0];
	_ =	sdelay $0x2  }
0x17f: {  	v0 =	vadd.f32 v4, v0  }
0x180: {  	s8 =	sadd.s32 s6, s22;
	[tilespmem:s24+$0x30] =	vst v7;
	v2 =	vadd.f32 v2, v6  }
0x181: {  	s8 =	sshll.u32 s8, $0x8;
	[tilespmem:s24+$0xFFFFFFF0] =	vst v0;
	v0 =	vadd.f32 v1, v3  }
0x182: {  	s8 =	sand.u32 $0x1FFFFC00, s8;
	[tilespmem:s28+$0x30] =	vst v2  }
0x183: {  	s8 =	sadd.s32 s5, s8;
	s24 =	simm.s32 $0x8000;
	[tilespmem:s28+$0xFFFFFFF0] =	vst v0  }
0x184: {  	[hbm4b:s8+s3] =	stream.linear.scatter [tilespmem:s24], [sflag:$0xF], $0x2000, $0x38;
	[tilespmem:$0x14000] =	vst v63  }
0x185: {  	s8 =	simm.s32 @!p0 $0xD  }
0x186: {  	_ =	swait.ge @!p0 [sflag:s8], $0x2000  }
0x187: {  	[sflag:s8] =	ssyncset.done @!p0 $0x0  }
0x188: {  	[sflag:s8] =	ssyncadd.s32 @!p0 $0xFFFFE000;
	s8 =	rddreg [dreg:$0x8]  }
0x189: {  	s14 =	simm.s32 @!p0 $0x4000;
	s9 =	simm.s32 @!p0 $0x0;
	s8 =	sadd.s32 @!p0 s4, s8  }
0x18a: {  	[tilespmem:s14], [sflag:$0x3] =	stream.linear.gather @!p0 [hbm4b:s8+s9], $0x2000, $0x38;
	[tilespmem:$0x14000] =	vst v63  }
0x18b: {  	_ =	swait.ge [sflag:s19], $0x2000  }
0x18c: {  	[sflag:s19] =	ssyncset.done $0x0  }
0x18d: {  	s22 =	simm.s32 $0xA040;
	[sflag:s19] =	ssyncadd.s32 $0xFFFFE000  }
0x18e: {  	s28 =	simm.s32 $0x12040;
	v0 =	vld [tilespmem:s22+$0x0]  }
0x18f: {  	v1 =	vld [tilespmem:s28+$0x0];
	_ =	sdelay $0x1  }
0x190: {  	v2 =	vld [tilespmem:s28+$0xFFFFFFC0]  }
0x191: {  	v3 =	vld [tilespmem:s22+$0xFFFFFFC0];
	_ =	sdelay $0x1  }
0x192: {  	v0 =	vadd.f32 v1, v0;
	_ =	sdelay $0x1  }
0x193: {  	[tilespmem:s22+$0x0] =	vst v0;
	v0 =	vld [tilespmem:s22+$0x10]  }
0x194: {  	v1 =	vadd.f32 v2, v3;
	v2 =	vld [tilespmem:s28+$0x10]  }
0x195: {  	v4 =	vld [tilespmem:s22+$0xFFFFFFE0]  }
0x196: {  	v5 =	vld [tilespmem:s22+$0x20]  }
0x197: {  	v3 =	vld [tilespmem:s22+$0xFFFFFFD0];
	[tilespmem:s22+$0xFFFFFFC0] =	vst v1  }
0x198: {  	s24 =	simm.s32 $0xA0C0;
	v1 =	vld [tilespmem:s28+$0xFFFFFFD0]  }
0x199: {  	s8 =	simm.s32 $0x120C0;
	v6 =	vld [tilespmem:s24+$0x0];
	v0 =	vadd.f32 v2, v0  }
0x19a: {  	v7 =	vld [tilespmem:s8+$0x0]  }
0x19b: {  	v9 =	vld [tilespmem:s8+$0xFFFFFFC0];
	[tilespmem:s22+$0x10] =	vst v0  }
0x19c: {  	v8 =	vld [tilespmem:s28+$0x20]  }
0x19d: {  	v1 =	vadd.f32 v1, v3;
	v3 =	vld [tilespmem:s24+$0xFFFFFFC0]  }
0x19e: {  	v2 =	vld [tilespmem:s24+$0xFFFFFFD0]  }
0x19f: {  	v0 =	vld [tilespmem:s22+$0xFFFFFFF0];
	[tilespmem:s22+$0xFFFFFFD0] =	vst v1;
	v1 =	vadd.f32 v7, v6  }
0x1a0: {  	v6 =	vld [tilespmem:s28+$0xFFFFFFE0]  }
0x1a1: {  	v7 =	vld [tilespmem:s22+$0x30];
	[tilespmem:s24+$0x0] =	vst v1;
	v5 =	vadd.f32 v8, v5  }
0x1a2: {  	v1 =	vadd.f32 v9, v3;
	v9 =	vld [tilespmem:s8+$0x10]  }
0x1a3: {  	v8 =	vld [tilespmem:s24+$0x10];
	[tilespmem:s22+$0x20] =	vst v5  }
0x1a4: {  	v10 =	vld [tilespmem:s28+$0x30]  }
0x1a5: {  	v3 =	vld [tilespmem:s24+$0xFFFFFFF0];
	[tilespmem:s24+$0xFFFFFFC0] =	vst v1;
	v4 =	vadd.f32 v6, v4  }
0x1a6: {  	v6 =	vld [tilespmem:s8+$0xFFFFFFD0]  }
0x1a7: {  	v1 =	vld [tilespmem:s24+$0xFFFFFFE0];
	[tilespmem:s22+$0xFFFFFFE0] =	vst v4  }
0x1a8: {  	s15 =	simm.s32 $0xA140;
	v4 =	vld [tilespmem:s28+$0xFFFFFFF0];
	v8 =	vadd.f32 v9, v8  }
0x1a9: {  	s30 =	simm.s32 $0xC000;
	s14 =	simm.s32 $0x80;
	s9 =	simm.s32 $0x120C0;
	v5 =	vld [tilespmem:s24+$0x20];
	v7 =	vadd.f32 v10, v7  }
.LBB2_13:
0x1aa: {  	v9 =	vld [tilespmem:s15+$0x0];
	[tilespmem:s24+$0x10] =	vst v8;
	s8 =	sadd.s32 $0x80, s8  }
0x1ab: {  	v8 =	vld [tilespmem:s8+$0x0];
	v2 =	vadd.f32 v6, v2;
	[tilespmem:s22+$0x30] =	vst v7  }
0x1ac: {  	s14 =	sadd.s32 $0x80, s14;
	v6 =	vld [tilespmem:s9+$0x20]  }
0x1ad: {  	p1 =	slt.u32 s14, $0x1F80;
	v7 =	vld [tilespmem:s8+$0xFFFFFFC0];
	[tilespmem:s24+$0xFFFFFFD0] =	vst v2;
	v4 =	vadd.f32 v4, v0;
	v0 =	vmov v3  }
0x1ae: {  	v3 =	vld [tilespmem:s15+$0xFFFFFFC0]  }
0x1af: {  	v2 =	vld [tilespmem:s15+$0xFFFFFFD0];
	[tilespmem:s22+$0xFFFFFFF0] =	vst v4;
	s22 =	smov.u32 s24;
	s24 =	smov.u32 s15  }
0x1b0: {  	v4 =	vadd.f32 v8, v9;
	v8 =	vld [tilespmem:s9+$0xFFFFFFE0]  }
0x1b1: {  	v5 =	vadd.f32 v6, v5;
	v9 =	vld [tilespmem:s22+$0x30]  }
0x1b2: {  	[tilespmem:s15+$0x0] =	vst v4;
	v4 =	vld [tilespmem:s15+$0x10]  }
0x1b3: {  	v3 =	vadd.f32 v7, v3;
	v7 =	vld [tilespmem:s8+$0x10];
	[tilespmem:s22+$0x20] =	vst v5  }
0x1b4: {  	v10 =	vld [tilespmem:s9+$0x30]  }
.Ltmp5:
0x1b5: {  	[tilespmem:s15+$0xFFFFFFC0] =	vst v3;
	v5 =	vadd.f32 v8, v1;
	v1 =	vld [tilespmem:s15+$0xFFFFFFE0];
	(pc) =	sbr.rel @p1 .LBB2_13-.Ltmp5, $4  }
0x1b6: {  	v6 =	vld [tilespmem:s8+$0xFFFFFFD0]  }
0x1b7: {  	v3 =	vld [tilespmem:s15+$0xFFFFFFF0];
	[tilespmem:s22+$0xFFFFFFE0] =	vst v5  }
0x1b8: {  	v8 =	vadd.f32 v7, v4;
	v4 =	vld [tilespmem:s9+$0xFFFFFFF0];
	s9 =	smov.u32 s8  }
0x1b9: {  	s15 =	sadd.s32 $0x80, s15;
	v5 =	vld [tilespmem:s24+$0x20];
	v7 =	vadd.f32 v10, v9  }
0x1ba: {  	_ = 	snop  }
0x1bb: {  	v2 =	vadd.f32 v6, v2  }
0x1bc: {  	[tilespmem:s24+$0x10] =	vst v8  }
0x1bd: {  	v6 =	vld [tilespmem:s9+$0x20];
	[tilespmem:s24+$0xFFFFFFD0] =	vst v2  }
0x1be: {  	v2 =	vld [tilespmem:s9+$0xFFFFFFE0];
	_ =	sdelay $0x3  }
0x1bf: {  	v5 =	vadd.f32 v6, v5  }
0x1c0: {  	v1 =	vadd.f32 v2, v1  }
0x1c1: {  	v6 =	vld [tilespmem:s24+$0x30];
	[tilespmem:s24+$0x20] =	vst v5  }
0x1c2: {  	v2 =	vld [tilespmem:s9+$0x30];
	[tilespmem:s24+$0xFFFFFFE0] =	vst v1  }
0x1c3: {  	v1 =	vld [tilespmem:s9+$0xFFFFFFF0];
	_ =	sdelay $0x2  }
0x1c4: {  	v0 =	vadd.f32 v4, v0  }
0x1c5: {  	[tilespmem:s22+$0x30] =	vst v7;
	v2 =	vadd.f32 v2, v6  }
0x1c6: {  	[tilespmem:s22+$0xFFFFFFF0] =	vst v0;
	v0 =	vadd.f32 v1, v3  }
0x1c7: {  	[tilespmem:s24+$0x30] =	vst v2  }
0x1c8: {  	s8 =	sadd.s32 s5, s17;
	s28 =	simm.s32 $0xA000;
	[tilespmem:s24+$0xFFFFFFF0] =	vst v0  }
0x1c9: {  	[hbm4b:s8+s3] =	stream.linear.scatter [tilespmem:s28], [sflag:$0x10], $0x2000, $0x38;
	[tilespmem:$0x14000] =	vst v63  }
0x1ca: {  	s8 =	simm.s32 @!p0 $0xE  }
0x1cb: {  	_ =	swait.ge @!p0 [sflag:s8], $0x2000  }
0x1cc: {  	[sflag:s8] =	ssyncset.done @!p0 $0x0  }
0x1cd: {  	[sflag:s8] =	ssyncadd.s32 @!p0 $0xFFFFE000;
	s8 =	rddreg [dreg:$0x9]  }
0x1ce: {  	s14 =	simm.s32 @!p0 $0x6000;
	s9 =	simm.s32 @!p0 $0x0;
	s8 =	sadd.s32 @!p0 s4, s8  }
0x1cf: {  	[tilespmem:s14], [sflag:$0x4] =	stream.linear.gather @!p0 [hbm4b:s8+s9], $0x2000, $0x38;
	[tilespmem:$0x14000] =	vst v63  }
0x1d0: {  	_ =	swait.ge [sflag:s7], $0x2000  }
0x1d1: {  	[sflag:s7] =	ssyncset.done $0x0  }
0x1d2: {  	s17 =	simm.s32 $0xC040;
	[sflag:s7] =	ssyncadd.s32 $0xFFFFE000  }
0x1d3: {  	s24 =	simm.s32 $0x12040;
	v0 =	vld [tilespmem:s17+$0x0]  }
0x1d4: {  	v1 =	vld [tilespmem:s24+$0x0];
	_ =	sdelay $0x1  }
0x1d5: {  	v2 =	vld [tilespmem:s24+$0xFFFFFFC0]  }
0x1d6: {  	v3 =	vld [tilespmem:s17+$0xFFFFFFC0];
	_ =	sdelay $0x1  }
0x1d7: {  	v0 =	vadd.f32 v1, v0;
	_ =	sdelay $0x1  }
0x1d8: {  	[tilespmem:s17+$0x0] =	vst v0;
	v0 =	vld [tilespmem:s17+$0x10]  }
0x1d9: {  	v1 =	vadd.f32 v2, v3;
	v2 =	vld [tilespmem:s24+$0x10]  }
0x1da: {  	v4 =	vld [tilespmem:s17+$0xFFFFFFE0]  }
0x1db: {  	v5 =	vld [tilespmem:s17+$0x20]  }
0x1dc: {  	v3 =	vld [tilespmem:s17+$0xFFFFFFD0];
	[tilespmem:s17+$0xFFFFFFC0] =	vst v1  }
0x1dd: {  	s22 =	simm.s32 $0xC0C0;
	v1 =	vld [tilespmem:s24+$0xFFFFFFD0]  }
0x1de: {  	s8 =	simm.s32 $0x120C0;
	v6 =	vld [tilespmem:s22+$0x0];
	v0 =	vadd.f32 v2, v0  }
0x1df: {  	v7 =	vld [tilespmem:s8+$0x0]  }
0x1e0: {  	v9 =	vld [tilespmem:s8+$0xFFFFFFC0];
	[tilespmem:s17+$0x10] =	vst v0  }
0x1e1: {  	v8 =	vld [tilespmem:s24+$0x20]  }
0x1e2: {  	v1 =	vadd.f32 v1, v3;
	v3 =	vld [tilespmem:s22+$0xFFFFFFC0]  }
0x1e3: {  	v2 =	vld [tilespmem:s22+$0xFFFFFFD0]  }
0x1e4: {  	v0 =	vld [tilespmem:s17+$0xFFFFFFF0];
	[tilespmem:s17+$0xFFFFFFD0] =	vst v1;
	v1 =	vadd.f32 v7, v6  }
0x1e5: {  	v6 =	vld [tilespmem:s24+$0xFFFFFFE0]  }
0x1e6: {  	v7 =	vld [tilespmem:s17+$0x30];
	[tilespmem:s22+$0x0] =	vst v1;
	v5 =	vadd.f32 v8, v5  }
0x1e7: {  	v1 =	vadd.f32 v9, v3;
	v9 =	vld [tilespmem:s8+$0x10]  }
0x1e8: {  	v8 =	vld [tilespmem:s22+$0x10];
	[tilespmem:s17+$0x20] =	vst v5  }
0x1e9: {  	v10 =	vld [tilespmem:s24+$0x30]  }
0x1ea: {  	v3 =	vld [tilespmem:s22+$0xFFFFFFF0];
	[tilespmem:s22+$0xFFFFFFC0] =	vst v1;
	v4 =	vadd.f32 v6, v4  }
0x1eb: {  	v6 =	vld [tilespmem:s8+$0xFFFFFFD0]  }
0x1ec: {  	v1 =	vld [tilespmem:s22+$0xFFFFFFE0];
	[tilespmem:s17+$0xFFFFFFE0] =	vst v4  }
0x1ed: {  	v4 =	vld [tilespmem:s24+$0xFFFFFFF0];
	v8 =	vadd.f32 v9, v8  }
0x1ee: {  	s15 =	simm.s32 $0xC140;
	s14 =	simm.s32 $0x80;
	s9 =	simm.s32 $0x120C0;
	v5 =	vld [tilespmem:s22+$0x20];
	v7 =	vadd.f32 v10, v7  }
.LBB2_15:
0x1ef: {  	v9 =	vld [tilespmem:s15+$0x0];
	[tilespmem:s22+$0x10] =	vst v8;
	s8 =	sadd.s32 $0x80, s8  }
0x1f0: {  	v8 =	vld [tilespmem:s8+$0x0];
	v2 =	vadd.f32 v6, v2;
	[tilespmem:s17+$0x30] =	vst v7  }
0x1f1: {  	s14 =	sadd.s32 $0x80, s14;
	v6 =	vld [tilespmem:s9+$0x20]  }
0x1f2: {  	p1 =	slt.u32 s14, $0x1F80;
	v7 =	vld [tilespmem:s8+$0xFFFFFFC0];
	[tilespmem:s22+$0xFFFFFFD0] =	vst v2;
	v4 =	vadd.f32 v4, v0;
	v0 =	vmov v3  }
0x1f3: {  	v3 =	vld [tilespmem:s15+$0xFFFFFFC0]  }
0x1f4: {  	v2 =	vld [tilespmem:s15+$0xFFFFFFD0];
	[tilespmem:s17+$0xFFFFFFF0] =	vst v4;
	s17 =	smov.u32 s22;
	s22 =	smov.u32 s15  }
0x1f5: {  	v4 =	vadd.f32 v8, v9;
	v8 =	vld [tilespmem:s9+$0xFFFFFFE0]  }
0x1f6: {  	v5 =	vadd.f32 v6, v5;
	v9 =	vld [tilespmem:s17+$0x30]  }
0x1f7: {  	[tilespmem:s15+$0x0] =	vst v4;
	v4 =	vld [tilespmem:s15+$0x10]  }
0x1f8: {  	v3 =	vadd.f32 v7, v3;
	v7 =	vld [tilespmem:s8+$0x10];
	[tilespmem:s17+$0x20] =	vst v5  }
0x1f9: {  	v10 =	vld [tilespmem:s9+$0x30]  }
.Ltmp6:
0x1fa: {  	[tilespmem:s15+$0xFFFFFFC0] =	vst v3;
	v5 =	vadd.f32 v8, v1;
	v1 =	vld [tilespmem:s15+$0xFFFFFFE0];
	(pc) =	sbr.rel @p1 .LBB2_15-.Ltmp6, $4  }
0x1fb: {  	v6 =	vld [tilespmem:s8+$0xFFFFFFD0]  }
0x1fc: {  	v3 =	vld [tilespmem:s15+$0xFFFFFFF0];
	[tilespmem:s17+$0xFFFFFFE0] =	vst v5  }
0x1fd: {  	v8 =	vadd.f32 v7, v4;
	v4 =	vld [tilespmem:s9+$0xFFFFFFF0];
	s9 =	smov.u32 s8  }
0x1fe: {  	s15 =	sadd.s32 $0x80, s15;
	v5 =	vld [tilespmem:s22+$0x20];
	v7 =	vadd.f32 v10, v9  }
0x1ff: {  	_ = 	snop  }
0x200: {  	v2 =	vadd.f32 v6, v2  }
0x201: {  	[tilespmem:s22+$0x10] =	vst v8  }
0x202: {  	v6 =	vld [tilespmem:s9+$0x20];
	[tilespmem:s22+$0xFFFFFFD0] =	vst v2  }
0x203: {  	v2 =	vld [tilespmem:s9+$0xFFFFFFE0];
	_ =	sdelay $0x3  }
0x204: {  	v5 =	vadd.f32 v6, v5  }
0x205: {  	v1 =	vadd.f32 v2, v1  }
0x206: {  	v6 =	vld [tilespmem:s22+$0x30];
	[tilespmem:s22+$0x20] =	vst v5  }
0x207: {  	v2 =	vld [tilespmem:s9+$0x30];
	[tilespmem:s22+$0xFFFFFFE0] =	vst v1  }
0x208: {  	v1 =	vld [tilespmem:s9+$0xFFFFFFF0];
	_ =	sdelay $0x2  }
0x209: {  	v0 =	vadd.f32 v4, v0  }
0x20a: {  	[tilespmem:s17+$0x30] =	vst v7;
	v2 =	vadd.f32 v2, v6  }
0x20b: {  	[tilespmem:s17+$0xFFFFFFF0] =	vst v0;
	v0 =	vadd.f32 v1, v3  }
0x20c: {  	[tilespmem:s22+$0x30] =	vst v2  }
0x20d: {  	s8 =	sadd.s32 s5, s20;
	[tilespmem:s22+$0xFFFFFFF0] =	vst v0  }
0x20e: {  	[hbm4b:s8+s3] =	stream.linear.scatter [tilespmem:s30], [sflag:$0x11], $0x2000, $0x38;
	[tilespmem:$0x14000] =	vst v63  }
0x20f: {  	s8 =	simm.s32 @!p0 $0xF  }
0x210: {  	_ =	swait.ge @!p0 [sflag:s8], $0x2000  }
0x211: {  	s14 =	simm.s32 @!p0 $0x8000;
	[sflag:s8] =	ssyncset.done @!p0 $0x0  }
0x212: {  	s9 =	simm.s32 @!p0 $0x0;
	[sflag:s8] =	ssyncadd.s32 @!p0 $0xFFFFE000;
	s8 =	sadd.s32 @!p0 s16, s4  }
0x213: {  	[tilespmem:s14], [sflag:$0x5] =	stream.linear.gather @!p0 [hbm4b:s8+s9], $0x2000, $0x38;
	[tilespmem:$0x14000] =	vst v63  }
0x214: {  	_ =	swait.ge [sflag:s13], $0x2000  }
0x215: {  	[sflag:s13] =	ssyncset.done $0x0  }
0x216: {  	s17 =	simm.s32 $0xE040;
	[sflag:s13] =	ssyncadd.s32 $0xFFFFE000  }
0x217: {  	s24 =	simm.s32 $0x12040;
	v0 =	vld [tilespmem:s17+$0x0]  }
0x218: {  	v1 =	vld [tilespmem:s24+$0x0];
	_ =	sdelay $0x1  }
0x219: {  	v2 =	vld [tilespmem:s24+$0xFFFFFFC0]  }
0x21a: {  	v3 =	vld [tilespmem:s17+$0xFFFFFFC0];
	_ =	sdelay $0x1  }
0x21b: {  	v0 =	vadd.f32 v1, v0;
	_ =	sdelay $0x1  }
0x21c: {  	[tilespmem:s17+$0x0] =	vst v0;
	v0 =	vld [tilespmem:s17+$0x10]  }
0x21d: {  	v1 =	vadd.f32 v2, v3;
	v2 =	vld [tilespmem:s24+$0x10]  }
0x21e: {  	v4 =	vld [tilespmem:s17+$0xFFFFFFE0]  }
0x21f: {  	v5 =	vld [tilespmem:s17+$0x20]  }
0x220: {  	v3 =	vld [tilespmem:s17+$0xFFFFFFD0];
	[tilespmem:s17+$0xFFFFFFC0] =	vst v1  }
0x221: {  	s20 =	simm.s32 $0xE0C0;
	v1 =	vld [tilespmem:s24+$0xFFFFFFD0]  }
0x222: {  	s8 =	simm.s32 $0x120C0;
	v6 =	vld [tilespmem:s20+$0x0];
	v0 =	vadd.f32 v2, v0  }
0x223: {  	v7 =	vld [tilespmem:s8+$0x0]  }
0x224: {  	v9 =	vld [tilespmem:s8+$0xFFFFFFC0];
	[tilespmem:s17+$0x10] =	vst v0  }
0x225: {  	v8 =	vld [tilespmem:s24+$0x20]  }
0x226: {  	v1 =	vadd.f32 v1, v3;
	v3 =	vld [tilespmem:s20+$0xFFFFFFC0]  }
0x227: {  	v2 =	vld [tilespmem:s20+$0xFFFFFFD0]  }
0x228: {  	v0 =	vld [tilespmem:s17+$0xFFFFFFF0];
	[tilespmem:s17+$0xFFFFFFD0] =	vst v1;
	v1 =	vadd.f32 v7, v6  }
0x229: {  	v6 =	vld [tilespmem:s24+$0xFFFFFFE0]  }
0x22a: {  	v7 =	vld [tilespmem:s17+$0x30];
	[tilespmem:s20+$0x0] =	vst v1;
	v5 =	vadd.f32 v8, v5  }
0x22b: {  	v1 =	vadd.f32 v9, v3;
	v9 =	vld [tilespmem:s8+$0x10]  }
0x22c: {  	v8 =	vld [tilespmem:s20+$0x10];
	[tilespmem:s17+$0x20] =	vst v5  }
0x22d: {  	v10 =	vld [tilespmem:s24+$0x30]  }
0x22e: {  	v3 =	vld [tilespmem:s20+$0xFFFFFFF0];
	[tilespmem:s20+$0xFFFFFFC0] =	vst v1;
	v4 =	vadd.f32 v6, v4  }
0x22f: {  	v6 =	vld [tilespmem:s8+$0xFFFFFFD0]  }
0x230: {  	v1 =	vld [tilespmem:s20+$0xFFFFFFE0];
	[tilespmem:s17+$0xFFFFFFE0] =	vst v4  }
0x231: {  	v4 =	vld [tilespmem:s24+$0xFFFFFFF0];
	v8 =	vadd.f32 v9, v8  }
0x232: {  	s15 =	simm.s32 $0xE140;
	s14 =	simm.s32 $0x80;
	s9 =	simm.s32 $0x120C0;
	v5 =	vld [tilespmem:s20+$0x20];
	v7 =	vadd.f32 v10, v7  }
.LBB2_17:
0x233: {  	v9 =	vld [tilespmem:s15+$0x0];
	[tilespmem:s20+$0x10] =	vst v8;
	s8 =	sadd.s32 $0x80, s8  }
0x234: {  	v8 =	vld [tilespmem:s8+$0x0];
	v2 =	vadd.f32 v6, v2;
	[tilespmem:s17+$0x30] =	vst v7  }
0x235: {  	s14 =	sadd.s32 $0x80, s14;
	v6 =	vld [tilespmem:s9+$0x20]  }
0x236: {  	p1 =	slt.u32 s14, $0x1F80;
	v7 =	vld [tilespmem:s8+$0xFFFFFFC0];
	[tilespmem:s20+$0xFFFFFFD0] =	vst v2;
	v4 =	vadd.f32 v4, v0;
	v0 =	vmov v3  }
0x237: {  	v3 =	vld [tilespmem:s15+$0xFFFFFFC0]  }
0x238: {  	v2 =	vld [tilespmem:s15+$0xFFFFFFD0];
	[tilespmem:s17+$0xFFFFFFF0] =	vst v4;
	s17 =	smov.u32 s20;
	s20 =	smov.u32 s15  }
0x239: {  	v4 =	vadd.f32 v8, v9;
	v8 =	vld [tilespmem:s9+$0xFFFFFFE0]  }
0x23a: {  	v5 =	vadd.f32 v6, v5;
	v9 =	vld [tilespmem:s17+$0x30]  }
0x23b: {  	[tilespmem:s15+$0x0] =	vst v4;
	v4 =	vld [tilespmem:s15+$0x10]  }
0x23c: {  	v3 =	vadd.f32 v7, v3;
	v7 =	vld [tilespmem:s8+$0x10];
	[tilespmem:s17+$0x20] =	vst v5  }
0x23d: {  	v10 =	vld [tilespmem:s9+$0x30]  }
.Ltmp7:
0x23e: {  	[tilespmem:s15+$0xFFFFFFC0] =	vst v3;
	v5 =	vadd.f32 v8, v1;
	v1 =	vld [tilespmem:s15+$0xFFFFFFE0];
	(pc) =	sbr.rel @p1 .LBB2_17-.Ltmp7, $4  }
0x23f: {  	v6 =	vld [tilespmem:s8+$0xFFFFFFD0]  }
0x240: {  	v3 =	vld [tilespmem:s15+$0xFFFFFFF0];
	[tilespmem:s17+$0xFFFFFFE0] =	vst v5  }
0x241: {  	v8 =	vadd.f32 v7, v4;
	v4 =	vld [tilespmem:s9+$0xFFFFFFF0];
	s9 =	smov.u32 s8  }
0x242: {  	s15 =	sadd.s32 $0x80, s15;
	v5 =	vld [tilespmem:s20+$0x20];
	v7 =	vadd.f32 v10, v9  }
0x243: {  	_ = 	snop  }
0x244: {  	v2 =	vadd.f32 v6, v2  }
0x245: {  	[tilespmem:s20+$0x10] =	vst v8  }
0x246: {  	v60 =	vld [tilespmem:s9+$0x20];
	[tilespmem:s20+$0xFFFFFFD0] =	vst v2  }
0x247: {  	v2 =	vld [tilespmem:s9+$0xFFFFFFE0];
	_ =	sdelay $0x3  }
0x248: {  	v5 =	vadd.f32 v60, v5  }
0x249: {  	v1 =	vadd.f32 v2, v1  }
0x24a: {  	v61 =	vld [tilespmem:s20+$0x30];
	[tilespmem:s20+$0x20] =	vst v5  }
0x24b: {  	v62 =	vld [tilespmem:s9+$0x30];
	[tilespmem:s20+$0xFFFFFFE0] =	vst v1  }
0x24c: {  	v1 =	vld [tilespmem:s9+$0xFFFFFFF0];
	_ =	sdelay $0x2  }
0x24d: {  	v0 =	vadd.f32 v4, v0  }
0x24e: {  	[tilespmem:s17+$0x30] =	vst v7;
	v2 =	vadd.f32 v62, v61  }
0x24f: {  	[tilespmem:s17+$0xFFFFFFF0] =	vst v0;
	v63 =	vadd.f32 v1, v3  }
0x250: {  	[tilespmem:s20+$0x30] =	vst v2  }
0x251: {  	s8 =	sadd.s32 s5, s21;
	s15 =	simm.s32 $0xE000;
	[tilespmem:s20+$0xFFFFFFF0] =	vst v63  }
0x252: {  	[hbm4b:s8+s3] =	stream.linear.scatter [tilespmem:s15], [sflag:$0x12], $0x2000, $0x38;
	[tilespmem:$0x14000] =	vst v63  }
0x253: {  	p1 =	sne.s32 @!p0 s23, $0x10;
	s8 =	rddreg [dreg:$0x5]  }
0x254: {  	s9 =	simm.s32 @!p0 $0x12000;
	s4 =	sadd.s32 @!p0 s8, s4;
	s8 =	simm.s32 @!p0 $0x0  }
0x255: {  	[tilespmem:s9], [sflag:$0xA] =	stream.linear.gather @!p0 [hbm4b:s4+s8], $0x2000, $0x38;
	[tilespmem:$0x14000] =	vst v63  }
0x256: {  	p0 =	por p0, !p1  }
.Ltmp8:
0x257: {  	_ = 	snop;
	(pc) =	sbr.rel @!p0 .LBB2_2-.Ltmp8, $1  }
0x258: {  	_ =	sdelay $0x3  }
0x259: {  	s4 =	simm.s32 $0xB  }
0x25a: {  	_ =	swait.ge [sflag:s4], $0x2000  }
0x25b: {  	[sflag:s4] =	ssyncset.done $0x0  }
0x25c: {  	s14 =	simm.s32 $0xC;
	[sflag:s4] =	ssyncadd.s32 $0xFFFFE000  }
0x25d: {  	_ =	swait.ge [sflag:s14], $0x2000  }
0x25e: {  	[sflag:s14] =	ssyncset.done $0x0  }
0x25f: {  	s17 =	simm.s32 $0xD;
	[sflag:s14] =	ssyncadd.s32 $0xFFFFE000  }
0x260: {  	_ =	swait.ge [sflag:s17], $0x2000  }
0x261: {  	[sflag:s17] =	ssyncset.done $0x0  }
0x262: {  	s20 =	simm.s32 $0xE;
	[sflag:s17] =	ssyncadd.s32 $0xFFFFE000  }
0x263: {  	_ =	swait.ge [sflag:s20], $0x2000  }
0x264: {  	[sflag:s20] =	ssyncset.done $0x0  }
0x265: {  	s21 =	simm.s32 $0xF;
	[sflag:s20] =	ssyncadd.s32 $0xFFFFE000  }
0x266: {  	_ =	swait.ge [sflag:s21], $0x2000  }
0x267: {  	[sflag:s21] =	ssyncset.done $0x0  }
0x268: {  	s22 =	simm.s32 $0x10;
	[sflag:s21] =	ssyncadd.s32 $0xFFFFE000  }
0x269: {  	_ =	swait.ge [sflag:s22], $0x2000  }
0x26a: {  	[sflag:s22] =	ssyncset.done $0x0  }
0x26b: {  	s23 =	simm.s32 $0x11;
	[sflag:s22] =	ssyncadd.s32 $0xFFFFE000  }
0x26c: {  	_ =	swait.ge [sflag:s23], $0x2000  }
0x26d: {  	[sflag:s23] =	ssyncset.done $0x0  }
0x26e: {  	s8 =	simm.s32 $0x12;
	[sflag:s23] =	ssyncadd.s32 $0xFFFFE000  }
0x26f: {  	_ =	swait.ge [sflag:s8], $0x2000  }
0x270: {  	s9 =	rddreg [dreg:$0xb]  }
0x271: {  	s24 =	rddreg [dreg:$0xa];
	s9 =	sadd.s32 $0x1, s9  }
0x272: {  	p0 =	sne.s32 s9, s24  }
.Ltmp9:
0x273: {  	_ = 	snop;
	(pc) =	sbr.rel @p0 .LBB2_1-.Ltmp9, $3  }
0x274: {  	_ =	sdelay $0x1  }
0x275: {  	[sflag:s8] =	ssyncset.done $0x0  }
0x276: {  	[sflag:s8] =	ssyncadd.s32 $0xFFFFE000  }
0x277: {  	_ =	sfence.sel $0x180000  }
0x278: {  	[bflag:$0x0] =	sbarrier.arrive $0xFFFF  }
0x279: {  	_ =	strace $0x9000004D  }
0x27a: {  	s0 =	stileid.u32;
	[bflag:$0x2] =	sbarrier.arrive $0xFFFF  }
0x27b: {  	p0 =	sne.s32 s0, $0x0;
	s0 =	rddreg [dreg:$0x2]  }
0x27c: {  	s0 =	sadd.s32 @!p0 $0x100000, s0  }
0x27d: {  	[sflag:s0] =	ssyncadd.tile.s32 @!p0 $0x1;
	_ =	shalt  }
.Lfunc_end2:
_tile_overlayer_lowered:
.L_overlay_start_2:
0x27e: {  	(tag) =	ssettag $0x2  }
0x27f: {  	s0 =	rddreg [dreg:$0x0];
	s2 =	stileid.u32  }
0x280: {  	s1 =	rddreg [dreg:$0x1];
	p0 =	sne.s32 s2, $0x0  }
0x281: {  	s3 =	rddreg [dreg:$0x2];
	[bflag:$0x3] =	sbarrier.arrive $0xFFFF;
	s2 =	simm.s32 @!p0 $0x1C13  }
0x282: {  	[timem:s3], [sflag:s2] =	dma.local @!p0 [hbm:s0], s1  }
0x283: {  	s0 =	simm.s32 @!p0 $0x13  }
0x284: {  	_ =	swait.ge @!p0 [sflag:s0], s1  }
0x285: {  	s1 =	ssub.s32 @!p0 $0x0, s1;
	[sflag:s0] =	ssyncset.done @!p0 $0x0  }
0x286: {  	[sflag:s0] =	ssyncadd.s32 @!p0 s1  }
0x287: {  	[bflag:$0x3] =	sbarrier.arrive $0xFFFF  }
0x288: {  	_ =	shalt  }

// kernel: sparse-core-data-format-call.1.cloned.1.call-start
scs
called_computation.1_lowered:
.L_overlay_start_0:
0x0: {  	s2 =	sld [smem:$0x3FD9]  }
0x1: {  	s3 =	sld [smem:$0x3FFE];
	_ =	sdelay $0x1  }
0x2: {  	s1 =	srdreg.scid  }
0x3: {  	s0 =	sand.u32 $0x1, s1  }
0x4: {  	s19 =	sshll.u32 s0, $0xA;
	s2 =	sadd.s32 s3, s2  }
0x5: {  	s2 =	sadd.s32 s2, s19  }
0x6: {  	[smem:$0x3FC6] =	sst s2  }
0x7: {  	_ = 	snop  }
0x8: {  	s20 =	sld [smem:$0x3FC9]  }
0x9: {  	s4 =	sld [smem:$0x3FD0];
	(tm) =	ssettm $0x1  }
0xa: {  	s21 =	sld [smem:$0x3FFB];
	_ =	sdelay $0x3  }
0xb: {  	_ =	strace s21  }
0xc: {  	s2 =	sld [smem:$0x3FFC];
	_ =	sdelay $0x3  }
0xd: {  	_ =	strace s2  }
0xe: {  	s2 =	sld [smem:$0x3FFD];
	_ =	sdelay $0x3  }
0xf: {  	_ =	strace s2  }
0x10: {  	_ =	strace $0x8FFFFFFF  }
0x11: {  	s22 =	sld [smem:$0x3FDB];
	_ =	sdelay $0x1  }
0x12: {  	s5 =	simm.s32 $_scs_section_size  }
0x13: {  	s6 =	simm.s32 $_size__tile_overlayer_lowered;
	s7 =	simm.s32 $_tile_overlayer_lowered  }
0x14: {  	s8 =	simm.s32 $0x1BFF;
	s23 =	sshll.u32 s7, $0x1;
	s5 =	sadd.s32 s5, s22  }
0x15: {  	s24 =	simm.s32 $0x0;
	s6 =	sshll.u32 s6, $0x1;
	s7 =	sadd.s32 s23, s5  }
0x16: {  	[timem:s24], [sflag:s8] =	dma.local [hbm:s7], s6  }
0x17: {  	_ =	swait.ge [sflag:s8], s6  }
0x18: {  	s6 =	ssub.s32 $0x0, s6;
	[sflag:s8] =	ssyncset.done $0x0  }
0x19: {  	[sflag:s8] =	ssyncadd.s32 s6;
	_ =	sdelay $0x1  }
0x1a: {  	s25 =	simm.s32 $0x1B8B  }
0x1b: {  	_ =	swait.ge [sflag:s25], $0x1  }
0x1c: {  	[sflag:s25] =	ssyncset.done $0x0  }
0x1d: {  	[sflag:s25] =	ssyncadd.s32 $0xFFFFFFFF  }
0x1e: {  	s6 =	sld [smem:$0x0]  }
0x1f: {  	s7 =	sand.u32 $0xFFFFFFFE, s1  }
0x20: {  	p0 =	sne.s32 s1, s7  }
0x21: {  	s7 =	sshll.u32 @p0 s7, $0xE  }
0x22: {  	s7 =	sadd.s32 @p0 $0x11B8D, s7;
	s8 =	sshll.u32 @p0 s6, $0x11  }
0x23: {  	s7 =	sor.u32 @p0 s8, s7  }
0x24: {  	[sflag:s7] =	ssyncadd.remote.s32 @p0 $0x1;
	_ =	sdelay $0x1  }
0x25: {  	s7 =	simm.s32 @p0 $0x1B8D  }
0x26: {  	_ =	swait.eq @p0 [sflag:s7], $0x1  }
0x27: {  	[sflag:s7] =	ssyncadd.s32 @p0 $0xFFFFFFFF  }
0x28: {  	s8 =	sshll.u32 @!p0 s1, $0xE  }
0x29: {  	s8 =	sor.u32 @!p0 $0x4000, s8;
	s7 =	simm.s32 @!p0 $0x1B8D  }
0x2a: {  	s6 =	sshll.u32 @!p0 s6, $0x11;
	s8 =	sadd.s32 @!p0 $0x11B8D, s8;
	_ =	swait.eq @!p0 [sflag:s7], $0x1  }
0x2b: {  	s6 =	sor.u32 @!p0 s6, s8;
	[sflag:s7] =	ssyncadd.s32 @!p0 $0xFFFFFFFF  }
0x2c: {  	s26 =	simm.s32 $0x1B8E;
	[sflag:s6] =	ssyncadd.remote.s32 @!p0 $0x1  }
0x2d: {  	s27 =	simm.s32 $execute0_lowered;
	[smem:$0x3FD2] =	sst s26  }
0x2e: {  	s6 =	sshll.u32 s27, $0x1;
	_ =	strace $0x80000049;
	[dreg:$0x1] =	wrdreg $0xFFFFFFFF  }
0x2f: {  	s28 =	simm.s32 $_size_execute0_lowered;
	s5 =	sadd.s32 s5, s6;
	[dreg:$0x0] =	wrdreg $0x0  }
0x30: {  	s6 =	sshll.u32 s28, $0x1;
	[dreg:$0x2] =	wrdreg s5  }
0x31: {  	[dreg:$0x3] =	wrdreg s6  }
0x32: {  	[dreg:$0x4] =	wrdreg $0xC0  }
0x33: {  	_ =	task [dreg:s24], $0x5FFFF  }
0x34: {  	[dreg:$0x1] =	wrdreg $0xFFFFFFFF  }
0x35: {  	[dreg:$0x0] =	wrdreg $0x60  }
0x36: {  	[dreg:$0x2] =	wrdreg s20  }
0x37: {  	[dreg:$0x3] =	wrdreg s4  }
0x38: {  	[dreg:$0x4] =	wrdreg $0xA  }
0x39: {  	_ =	task.clear_ibuf [dreg:s24], $0x5FFFF;
	_ =	strace $0x90000049  }
0x3a: {  	s29 =	simm.s32 $0xA;
	_ =	strace $0x8000004B  }
0x3b: {  	_ =	swait.ge [sflag:s29], $0x1  }
0x3c: {  	[sflag:s29] =	ssyncadd.s32 $0xFFFFFFFF  }
0x3d: {  	_ =	strace $0x9000004B  }
0x3e: {  	_ =	sfence  }
0x3f: {  	s30 =	sld [smem:$0x0];
	_ =	sdelay $0x2  }
0x40: {  	s31 =	sshll.u32 s1, $0xD;
	s1 =	sshrl.u32 s1, $0x2  }
0x41: {  	s4 =	sand.u32 $0x4000, s31;
	s1 =	sadd.s32 s1, s30  }
0x42: {  	s0 =	sor.u32 s4, s0;
	s1 =	sshll.u32 s1, $0x11  }
0x43: {  	s0 =	sor.u32 s1, s0  }
0x44: {  	s0 =	sadd.s32 $0x8F2B, s0  }
0x45: {  	[sflag:s0] =	ssyncadd.remote.s32 $0x1  }
0x46: {  	_ =	sfence.sel $0xFFFF  }
0x47: {  	[dreg:$0x0] =	wrdreg $0xFFFFFFFF;
	(pc) =	sbr.abs _section_cstart, $3  }
0x48: {  	[dreg:$0x1] =	wrdreg $0xFFFFFFFF  }
0x49: {  	_ =	task.clear_ibuf [dreg:s24], $0x2FFFF;
	_ =	strace $0x9FFFFFFF  }
0x4a: {  	(tm) =	ssettm $0x7FFFFFFF  }
0x4b: {  	_ =	shalt  }
tec
execute0_lowered:
.L_overlay_start_1:
0x0: {  	(tag) =	ssettag $0x1  }
0x1: {  	s2 =	rddreg [dreg:$0x0]  }
0x2: {  	s3 =	rddreg [dreg:$0x1]  }
0x3: {  	s0 =	rddreg [dreg:$0x2];
	s4 =	srdreg.scid  }
.Ltmp0:
0x4: {  	_ =	strace $0x8000004A;
	s1 =	stileid.u32;
	(pc) =	sbr.rel .LBB1_1-.Ltmp0, $4  }
0x5: {  	s6 =	simm.s32 $0x2;
	p0 =	por $0x0, $0x0;
	s5 =	sshll.u32 s4, $0x4  }
0x6: {  	s9 =	simm.s32 $0x0;
	s4 =	simm.s32 $0x1;
	s5 =	sand.u32 $0x10, s5  }
0x7: {  	s7 =	simm.s32 $0x0;
	[sflag:s4] =	ssyncpa.u1 $0x0;
	s5 =	sor.u32 s1, s5  }
0x8: {  	[sflag:s6] =	ssyncpa.u1 $0x0;
	s6 =	simm.s32 $0x0;
	s8 =	smov.u32 s5  }
.LBB1_7:
0x9: {  	s11 =	sadd.s32 $0x20, s8  }
0xa: {  	p1 =	slt.u32 s7, $0x2;
	s7 =	sadd.s32 $0x1, s7;
	p2 =	sgt.s32 s11, $0x7FF  }
0xb: {  	s11 =	smov.u32 @p2 s5;
	p2 =	sne.s32 s7, $0x42  }
.Ltmp1:
0xc: {  	_ = 	snop;
	(pc) =	sbr.rel @!p2 .LBB1_8-.Ltmp1, $4  }
0xd: {  	s10 =	simm.s32 @!p1 $0x2  }
0xe: {  	_ =	swait.ge @!p1 [sflag:s10], $0x4000  }
0xf: {  	s9 =	smov.u32 s8;
	[sflag:s10] =	ssyncset.done @!p1 $0x0  }
0x10: {  	p0 =	por !p0, !p0;
	s8 =	smov.u32 s11;
	[sflag:s10] =	ssyncadd.s32 @!p1 $0xFFFFC000  }
.LBB1_1:
0x11: {  	p1 =	sgt.u32 s7, $0x3F  }
0x12: {  	s10 =	sxor.u32 @!p1 $0xFFFFFFFF, s7  }
0x13: {  	s11 =	sshll.u32 @!p1 s8, $0xB;
	s10 =	sshll.u32 @!p1 s10, $0xE  }
0x14: {  	s12 =	simm.s32 @!p1 $0x0;
	s11 =	sadd.s32 @!p1 s2, s11;
	s10 =	sand.u32 @!p1 $0x4000, s10  }
0x15: {  	[tilespmem:s10], [sflag:$0x1] =	stream.linear.gather @!p1 [hbm4b:s11+s12], $0x4000, $0x38;
	[tilespmem:$0x10000] =	vst v63  }
0x16: {  	p1 =	seq.s32 s7, $0x0  }
0x17: {  	p2 =	seq.s32 @!p1 s7, $0x41  }
0x18: {  	p1 =	por p1, p2  }
.Ltmp2:
0x19: {  	_ = 	snop;
	(pc) =	sbr.rel @p1 .LBB1_7-.Ltmp2, $1  }
0x1a: {  	_ =	sdelay $0x3  }
0x1b: {  	s10 =	simm.s32 $0x1;
	_ =	swait.ge [sflag:s4], $0x4000;
	s12 =	sshll.u32 s7, $0xE  }
0x1c: {  	s13 =	simm.s32 $0x0;
	s10 =	simm.s32 @!p0 $0x0;
	[sflag:s4] =	ssyncset.done $0x0  }
0x1d: {  	s12 =	sand.u32 $0x4000, s12;
	s11 =	sshll.u32 s10, $0xE;
	[sflag:s4] =	ssyncadd.s32 $0xFFFFC000  }
0x1e: {  	s12 =	sor.u32 $0x8000, s12;
	s10 =	sor.u32 $0x8040, s11;
	s11 =	sor.u32 $0x40, s11  }
.LBB1_3:
0x1f: {  	v0 =	vmov s11;
	_ =	sdelay $0x3  }
0x20: {  	s15 =	simm.s32 $0x0  }
0x21: {  	v6 =	vld.idx.msk [tilespmem:v0+s15+$0x30 ss:$0x1], $0xffff  }
0x22: {  	v7 =	vld.idx.msk [tilespmem:v0+s15+$0xFFFFFFC0 ss:$0x1], $0xffff  }
0x23: {  	v5 =	vld.idx.msk [tilespmem:v0+s15+$0xFFFFFFD0 ss:$0x1], $0xffff  }
0x24: {  	v4 =	vld.idx.msk [tilespmem:v0+s15+$0xFFFFFFE0 ss:$0x1], $0xffff  }
0x25: {  	v3 =	vld.idx.msk [tilespmem:v0+s15+$0xFFFFFFF0 ss:$0x1], $0xffff  }
0x26: {  	v1 =	vld.idx.msk [tilespmem:v0+s15+$0x0 ss:$0x1], $0xffff  }
0x27: {  	v2 =	vld.idx.msk [tilespmem:v0+s15+$0x10 ss:$0x1], $0xffff;
	[tilespmem:s10+$0x30] =	vst v6  }
0x28: {  	s14 =	simm.s32 $0x80;
	s16 =	simm.s32 $0x400;
	[tilespmem:s10+$0xFFFFFFC0] =	vst v7;
	v6 =	vld.idx.msk [tilespmem:v0+s15+$0x20 ss:$0x1], $0xffff;
	s15 =	smov.u32 s10  }
.LBB1_4:
0x29: {  	p1 =	sne.s32 s16, $0xE00;
	v7 =	vld.idx.msk [tilespmem:v0+s14+$0x30 ss:$0x1], $0xffff;
	[tilespmem:s15+$0xFFFFFFD0] =	vst v5  }
0x2a: {  	v8 =	vld.idx.msk [tilespmem:v0+s14+$0xFFFFFFC0 ss:$0x1], $0xffff;
	[tilespmem:s15+$0xFFFFFFE0] =	vst v4  }
0x2b: {  	v5 =	vld.idx.msk [tilespmem:v0+s14+$0xFFFFFFD0 ss:$0x1], $0xffff;
	[tilespmem:s15+$0xFFFFFFF0] =	vst v3  }
.Ltmp3:
0x2c: {  	v4 =	vld.idx.msk [tilespmem:v0+s14+$0xFFFFFFE0 ss:$0x1], $0xffff;
	[tilespmem:s15+$0x0] =	vst v1;
	(pc) =	sbr.rel @p1 .LBB1_4-.Ltmp3, $4  }
0x2d: {  	v3 =	vld.idx.msk [tilespmem:v0+s14+$0xFFFFFFF0 ss:$0x1], $0xffff;
	[tilespmem:s15+$0x10] =	vst v2  }
0x2e: {  	v1 =	vld.idx.msk [tilespmem:v0+s14+$0x0 ss:$0x1], $0xffff;
	[tilespmem:s15+$0x20] =	vst v6;
	s15 =	sadd.s32 $0x800, s15  }
0x2f: {  	v2 =	vld.idx.msk [tilespmem:v0+s14+$0x10 ss:$0x1], $0xffff;
	[tilespmem:s15+$0x30] =	vst v7  }
0x30: {  	[tilespmem:s15+$0xFFFFFFC0] =	vst v8;
	v6 =	vld.idx.msk [tilespmem:v0+s14+$0x20 ss:$0x1], $0xffff;
	s14 =	sshra.s32 s16, $0x2;
	s16 =	sadd.s32 $0x200, s16  }
0x31: {  	_ =	sdelay $0x2  }
0x32: {  	[tilespmem:s15+$0xFFFFFFD0] =	vst v5  }
0x33: {  	v56 =	vld.idx.msk [tilespmem:v0+s14+$0x30 ss:$0x1], $0xffff;
	[tilespmem:s15+$0xFFFFFFE0] =	vst v4  }
0x34: {  	v57 =	vld.idx.msk [tilespmem:v0+s14+$0xFFFFFFC0 ss:$0x1], $0xffff;
	[tilespmem:s15+$0xFFFFFFF0] =	vst v3  }
0x35: {  	v58 =	vld.idx.msk [tilespmem:v0+s14+$0xFFFFFFD0 ss:$0x1], $0xffff;
	[tilespmem:s15+$0x0] =	vst v1  }
0x36: {  	v59 =	vld.idx.msk [tilespmem:v0+s14+$0xFFFFFFE0 ss:$0x1], $0xffff;
	[tilespmem:s15+$0x10] =	vst v2  }
0x37: {  	v60 =	vld.idx.msk [tilespmem:v0+s14+$0xFFFFFFF0 ss:$0x1], $0xffff;
	s31 =	sadd.s32 $0x800, s15;
	[tilespmem:s15+$0x20] =	vst v6  }
0x38: {  	v61 =	vld.idx.msk [tilespmem:v0+s14+$0x0 ss:$0x1], $0xffff;
	[tilespmem:s31+$0x30] =	vst v56  }
0x39: {  	v62 =	vld.idx.msk [tilespmem:v0+s14+$0x10 ss:$0x1], $0xffff;
	s13 =	sadd.s32 $0x1, s13;
	[tilespmem:s31+$0xFFFFFFC0] =	vst v57  }
0x3a: {  	v63 =	vld.idx.msk [tilespmem:v0+s14+$0x20 ss:$0x1], $0xffff;
	p1 =	sne.s32 s13, $0x10;
	[tilespmem:s31+$0xFFFFFFD0] =	vst v58  }
.Ltmp4:
0x3b: {  	[tilespmem:s31+$0xFFFFFFE0] =	vst v59;
	(pc) =	sbr.rel @p1 .LBB1_3-.Ltmp4, $4  }
0x3c: {  	[tilespmem:s31+$0xFFFFFFF0] =	vst v60  }
0x3d: {  	[tilespmem:s31+$0x0] =	vst v61  }
0x3e: {  	[tilespmem:s31+$0x10] =	vst v62  }
0x3f: {  	s10 =	sadd.s32 $0x80, s10;
	s11 =	sadd.s32 $0x400, s11;
	[tilespmem:s31+$0x20] =	vst v63  }
.Ltmp5:
0x40: {  	(pc) =	sbr.rel .LBB1_7-.Ltmp5, $4  }
0x41: {  	_ = 	snop  }
0x42: {  	s9 =	sshll.u32 s9, $0xB  }
0x43: {  	s9 =	sadd.s32 s3, s9  }
0x44: {  	[hbm4b:s9+s6] =	stream.linear.scatter [tilespmem:s12], [sflag:$0x2], $0x4000, $0x38;
	[tilespmem:$0x10000] =	vst v63  }
.LBB1_8:
0x45: {  	_ =	sfence.sel $0x180000  }
0x46: {  	s2 =	simm.s32 $0x1;
	[bflag:$0x0] =	sbarrier.arrive $0xFFFF  }
0x47: {  	s31 =	simm.s32 $0x2;
	[sflag:s2] =	ssyncpa.u1 $0x1  }
0x48: {  	[sflag:s31] =	ssyncpa.u1 $0x1  }
0x49: {  	p0 =	sne.s32 s1, $0x0;
	_ =	strace $0x9000004A  }
0x4a: {  	s0 =	sadd.s32 @!p0 $0x100000, s0;
	[bflag:$0x2] =	sbarrier.arrive $0xFFFF  }
0x4b: {  	[sflag:s0] =	ssyncadd.tile.s32 @!p0 $0x1;
	_ =	shalt  }
.Lfunc_end1:
_tile_overlayer_lowered:
.L_overlay_start_2:
0x4c: {  	(tag) =	ssettag $0x2  }
0x4d: {  	s0 =	rddreg [dreg:$0x0];
	s2 =	stileid.u32  }
0x4e: {  	s1 =	rddreg [dreg:$0x1];
	p0 =	sne.s32 s2, $0x0  }
0x4f: {  	s3 =	rddreg [dreg:$0x2];
	[bflag:$0x3] =	sbarrier.arrive $0xFFFF;
	s2 =	simm.s32 @!p0 $0x1C01  }
0x50: {  	[timem:s3], [sflag:s2] =	dma.local @!p0 [hbm:s0], s1  }
0x51: {  	s0 =	simm.s32 @!p0 $0x1  }
0x52: {  	_ =	swait.ge @!p0 [sflag:s0], s1  }
0x53: {  	s1 =	ssub.s32 @!p0 $0x0, s1;
	[sflag:s0] =	ssyncset.done @!p0 $0x0  }
0x54: {  	[sflag:s0] =	ssyncadd.s32 @!p0 s1  }
0x55: {  	[bflag:$0x3] =	sbarrier.arrive $0xFFFF  }
0x56: {  	_ =	shalt  }

// kernel: sparse-core-data-format-call.cloned.1.call-start
scs
called_computation_lowered:
.L_overlay_start_0:
0x0: {  	s2 =	sld [smem:$0x3FD9]  }
0x1: {  	s3 =	sld [smem:$0x3FFE];
	_ =	sdelay $0x1  }
0x2: {  	s1 =	srdreg.scid  }
0x3: {  	s0 =	sand.u32 $0x1, s1  }
0x4: {  	s18 =	sshll.u32 s0, $0xA;
	s2 =	sadd.s32 s3, s2  }
0x5: {  	s2 =	sadd.s32 s2, s18  }
0x6: {  	[smem:$0x3FC6] =	sst s2  }
0x7: {  	_ = 	snop  }
0x8: {  	s2 =	sld [smem:$0x3FC8];
	(tm) =	ssettm $0x1  }
0x9: {  	s19 =	sld [smem:$0x3FFB];
	_ =	sdelay $0x3  }
0xa: {  	_ =	strace s19  }
0xb: {  	s3 =	sld [smem:$0x3FFC];
	_ =	sdelay $0x3  }
0xc: {  	_ =	strace s3  }
0xd: {  	s3 =	sld [smem:$0x3FFD];
	_ =	sdelay $0x3  }
0xe: {  	_ =	strace s3  }
0xf: {  	_ =	strace $0x8FFFFFFF  }
0x10: {  	s20 =	sld [smem:$0x3FDB];
	_ =	sdelay $0x1  }
0x11: {  	s4 =	simm.s32 $_scs_section_size  }
0x12: {  	s5 =	simm.s32 $_size__tile_overlayer_lowered;
	s6 =	simm.s32 $_tile_overlayer_lowered  }
0x13: {  	s23 =	simm.s32 $0x1BFF;
	s22 =	sshll.u32 s6, $0x1;
	s3 =	sadd.s32 s4, s20  }
0x14: {  	s7 =	simm.s32 $0x0;
	s21 =	sshll.u32 s5, $0x1;
	s5 =	sadd.s32 s22, s3  }
0x15: {  	[timem:s7], [sflag:s23] =	dma.local [hbm:s5], s21  }
0x16: {  	_ =	swait.ge [sflag:s23], s21  }
0x17: {  	s4 =	ssub.s32 $0x0, s21;
	[sflag:s23] =	ssyncset.done $0x0  }
0x18: {  	[sflag:s23] =	ssyncadd.s32 s4;
	_ =	sdelay $0x1  }
0x19: {  	s24 =	simm.s32 $0x1B8B  }
0x1a: {  	_ =	swait.ge [sflag:s24], $0x1  }
0x1b: {  	[sflag:s24] =	ssyncset.done $0x0  }
0x1c: {  	s26 =	simm.s32 $0x1B8E;
	s25 =	sld [smem:$0x3FFE];
	[sflag:s24] =	ssyncadd.s32 $0xFFFFFFFF  }
0x1d: {  	s27 =	simm.s32 $execute0_lowered;
	[smem:$0x3FD2] =	sst s26  }
0x1e: {  	s5 =	sshll.u32 s27, $0x1;
	_ =	strace $0x80000046;
	[dreg:$0x1] =	wrdreg $0xFFFFFFFF  }
0x1f: {  	s28 =	simm.s32 $_size_execute0_lowered;
	s3 =	sadd.s32 s3, s5;
	[dreg:$0x0] =	wrdreg $0x0  }
0x20: {  	s5 =	sshll.u32 s28, $0x1;
	[dreg:$0x2] =	wrdreg s3  }
0x21: {  	[dreg:$0x3] =	wrdreg s5  }
0x22: {  	[dreg:$0x4] =	wrdreg $0xC0  }
0x23: {  	_ =	task [dreg:s7], $0x5FFFF  }
0x24: {  	[dreg:$0x1] =	wrdreg $0xFFFFFFFF  }
0x25: {  	[dreg:$0x0] =	wrdreg $0x60  }
0x26: {  	[dreg:$0x2] =	wrdreg s2  }
0x27: {  	[dreg:$0x3] =	wrdreg s25  }
0x28: {  	[dreg:$0x4] =	wrdreg $0x9  }
0x29: {  	_ =	task.clear_ibuf [dreg:s7], $0x5FFFF;
	_ =	strace $0x90000046  }
0x2a: {  	s29 =	simm.s32 $0x9;
	_ =	strace $0x80000048  }
0x2b: {  	_ =	swait.ge [sflag:s29], $0x1  }
0x2c: {  	[sflag:s29] =	ssyncadd.s32 $0xFFFFFFFF  }
0x2d: {  	_ =	strace $0x90000048  }
0x2e: {  	_ =	sfence  }
0x2f: {  	s30 =	sld [smem:$0x0];
	_ =	sdelay $0x2  }
0x30: {  	s31 =	sshll.u32 s1, $0xD;
	s1 =	sshrl.u32 s1, $0x2  }
0x31: {  	s3 =	sand.u32 $0x4000, s31;
	s1 =	sadd.s32 s1, s30  }
0x32: {  	s0 =	sor.u32 s3, s0;
	s1 =	sshll.u32 s1, $0x11  }
0x33: {  	s0 =	sor.u32 s1, s0  }
0x34: {  	s0 =	sadd.s32 $0x8F2B, s0  }
0x35: {  	[sflag:s0] =	ssyncadd.remote.s32 $0x1  }
0x36: {  	_ =	sfence.sel $0xFFFF  }
0x37: {  	[dreg:$0x0] =	wrdreg $0xFFFFFFFF;
	(pc) =	sbr.abs _section_cstart, $3  }
0x38: {  	[dreg:$0x1] =	wrdreg $0xFFFFFFFF  }
0x39: {  	_ =	task.clear_ibuf [dreg:s7], $0x2FFFF;
	_ =	strace $0x9FFFFFFF  }
0x3a: {  	(tm) =	ssettm $0x7FFFFFFF  }
0x3b: {  	_ =	shalt  }
tec
execute0_lowered:
.L_overlay_start_1:
0x0: {  	(tag) =	ssettag $0x1  }
0x1: {  	s2 =	rddreg [dreg:$0x0]  }
0x2: {  	s1 =	rddreg [dreg:$0x1]  }
0x3: {  	s0 =	rddreg [dreg:$0x2];
	_ =	strace $0x80000047;
	s4 =	srdreg.scid  }
.Ltmp0:
0x4: {  	s6 =	simm.s32 $0x2;
	p0 =	por $0x0, $0x0;
	(pc) =	sbr.rel .LBB1_1-.Ltmp0, $4  }
0x5: {  	s9 =	simm.s32 $0x0;
	s3 =	sadd.s32 $0xC00, s1;
	s5 =	sshll.u32 s4, $0x4  }
0x6: {  	s1 =	stileid.u32;
	s4 =	simm.s32 $0x1;
	s5 =	sand.u32 $0x10, s5  }
0x7: {  	s7 =	simm.s32 $0x0;
	[sflag:s4] =	ssyncpa.u1 $0x0;
	s5 =	sor.u32 s1, s5  }
0x8: {  	[sflag:s6] =	ssyncpa.u1 $0x0;
	s6 =	simm.s32 $0x0;
	s8 =	smov.u32 s5  }
.LBB1_7:
0x9: {  	s11 =	sadd.s32 $0x20, s8  }
0xa: {  	p1 =	slt.u32 s7, $0x2;
	s7 =	sadd.s32 $0x1, s7;
	p2 =	sgt.s32 s11, $0x1FF  }
0xb: {  	s11 =	smov.u32 @p2 s5;
	p2 =	sne.s32 s7, $0x12  }
.Ltmp1:
0xc: {  	_ = 	snop;
	(pc) =	sbr.rel @!p2 .LBB1_8-.Ltmp1, $4  }
0xd: {  	s10 =	simm.s32 @!p1 $0x2  }
0xe: {  	_ =	swait.ge @!p1 [sflag:s10], $0x4000  }
0xf: {  	s9 =	smov.u32 s8;
	[sflag:s10] =	ssyncset.done @!p1 $0x0  }
0x10: {  	p0 =	por !p0, !p0;
	s8 =	smov.u32 s11;
	[sflag:s10] =	ssyncadd.s32 @!p1 $0xFFFFC000  }
.LBB1_1:
0x11: {  	p1 =	sgt.u32 s7, $0xF  }
0x12: {  	s10 =	sxor.u32 @!p1 $0xFFFFFFFF, s7  }
0x13: {  	s11 =	sshll.u32 @!p1 s8, $0xB;
	s10 =	sshll.u32 @!p1 s10, $0xE  }
0x14: {  	s12 =	simm.s32 @!p1 $0x0;
	s11 =	sadd.s32 @!p1 s2, s11;
	s10 =	sand.u32 @!p1 $0x4000, s10  }
0x15: {  	[tilespmem:s10], [sflag:$0x1] =	stream.linear.gather @!p1 [hbm4b:s11+s12], $0x4000, $0x38;
	[tilespmem:$0x10000] =	vst v63  }
0x16: {  	p1 =	seq.s32 s7, $0x0  }
0x17: {  	p2 =	seq.s32 @!p1 s7, $0x11  }
0x18: {  	p1 =	por p1, p2  }
.Ltmp2:
0x19: {  	_ = 	snop;
	(pc) =	sbr.rel @p1 .LBB1_7-.Ltmp2, $1  }
0x1a: {  	_ =	sdelay $0x3  }
0x1b: {  	s10 =	simm.s32 $0x1;
	_ =	swait.ge [sflag:s4], $0x4000;
	s12 =	sshll.u32 s7, $0xE  }
0x1c: {  	s13 =	simm.s32 $0x0;
	s10 =	simm.s32 @!p0 $0x0;
	[sflag:s4] =	ssyncset.done $0x0  }
0x1d: {  	s12 =	sand.u32 $0x4000, s12;
	s11 =	sshll.u32 s10, $0xE;
	[sflag:s4] =	ssyncadd.s32 $0xFFFFC000  }
0x1e: {  	s12 =	sor.u32 $0x8000, s12;
	s10 =	sor.u32 $0x8040, s11;
	s11 =	sor.u32 $0x40, s11  }
.LBB1_3:
0x1f: {  	v0 =	vmov s11;
	_ =	sdelay $0x3  }
0x20: {  	s15 =	simm.s32 $0x0  }
0x21: {  	v6 =	vld.idx.msk [tilespmem:v0+s15+$0x30 ss:$0x1], $0xffff  }
0x22: {  	v7 =	vld.idx.msk [tilespmem:v0+s15+$0xFFFFFFC0 ss:$0x1], $0xffff  }
0x23: {  	v5 =	vld.idx.msk [tilespmem:v0+s15+$0xFFFFFFD0 ss:$0x1], $0xffff  }
0x24: {  	v4 =	vld.idx.msk [tilespmem:v0+s15+$0xFFFFFFE0 ss:$0x1], $0xffff  }
0x25: {  	v3 =	vld.idx.msk [tilespmem:v0+s15+$0xFFFFFFF0 ss:$0x1], $0xffff  }
0x26: {  	v1 =	vld.idx.msk [tilespmem:v0+s15+$0x0 ss:$0x1], $0xffff  }
0x27: {  	v2 =	vld.idx.msk [tilespmem:v0+s15+$0x10 ss:$0x1], $0xffff;
	[tilespmem:s10+$0x30] =	vst v6  }
0x28: {  	s14 =	simm.s32 $0x80;
	s16 =	simm.s32 $0x400;
	[tilespmem:s10+$0xFFFFFFC0] =	vst v7;
	v6 =	vld.idx.msk [tilespmem:v0+s15+$0x20 ss:$0x1], $0xffff;
	s15 =	smov.u32 s10  }
.LBB1_4:
0x29: {  	p1 =	sne.s32 s16, $0xE00;
	v7 =	vld.idx.msk [tilespmem:v0+s14+$0x30 ss:$0x1], $0xffff;
	[tilespmem:s15+$0xFFFFFFD0] =	vst v5  }
0x2a: {  	v8 =	vld.idx.msk [tilespmem:v0+s14+$0xFFFFFFC0 ss:$0x1], $0xffff;
	[tilespmem:s15+$0xFFFFFFE0] =	vst v4  }
0x2b: {  	v5 =	vld.idx.msk [tilespmem:v0+s14+$0xFFFFFFD0 ss:$0x1], $0xffff;
	[tilespmem:s15+$0xFFFFFFF0] =	vst v3  }
.Ltmp3:
0x2c: {  	v4 =	vld.idx.msk [tilespmem:v0+s14+$0xFFFFFFE0 ss:$0x1], $0xffff;
	[tilespmem:s15+$0x0] =	vst v1;
	(pc) =	sbr.rel @p1 .LBB1_4-.Ltmp3, $4  }
0x2d: {  	v3 =	vld.idx.msk [tilespmem:v0+s14+$0xFFFFFFF0 ss:$0x1], $0xffff;
	[tilespmem:s15+$0x10] =	vst v2  }
0x2e: {  	v1 =	vld.idx.msk [tilespmem:v0+s14+$0x0 ss:$0x1], $0xffff;
	[tilespmem:s15+$0x20] =	vst v6;
	s15 =	sadd.s32 $0x800, s15  }
0x2f: {  	v2 =	vld.idx.msk [tilespmem:v0+s14+$0x10 ss:$0x1], $0xffff;
	[tilespmem:s15+$0x30] =	vst v7  }
0x30: {  	[tilespmem:s15+$0xFFFFFFC0] =	vst v8;
	v6 =	vld.idx.msk [tilespmem:v0+s14+$0x20 ss:$0x1], $0xffff;
	s14 =	sshra.s32 s16, $0x2;
	s16 =	sadd.s32 $0x200, s16  }
0x31: {  	_ =	sdelay $0x2  }
0x32: {  	[tilespmem:s15+$0xFFFFFFD0] =	vst v5  }
0x33: {  	v56 =	vld.idx.msk [tilespmem:v0+s14+$0x30 ss:$0x1], $0xffff;
	[tilespmem:s15+$0xFFFFFFE0] =	vst v4  }
0x34: {  	v57 =	vld.idx.msk [tilespmem:v0+s14+$0xFFFFFFC0 ss:$0x1], $0xffff;
	[tilespmem:s15+$0xFFFFFFF0] =	vst v3  }
0x35: {  	v58 =	vld.idx.msk [tilespmem:v0+s14+$0xFFFFFFD0 ss:$0x1], $0xffff;
	[tilespmem:s15+$0x0] =	vst v1  }
0x36: {  	v59 =	vld.idx.msk [tilespmem:v0+s14+$0xFFFFFFE0 ss:$0x1], $0xffff;
	[tilespmem:s15+$0x10] =	vst v2  }
0x37: {  	v60 =	vld.idx.msk [tilespmem:v0+s14+$0xFFFFFFF0 ss:$0x1], $0xffff;
	s31 =	sadd.s32 $0x800, s15;
	[tilespmem:s15+$0x20] =	vst v6  }
0x38: {  	v61 =	vld.idx.msk [tilespmem:v0+s14+$0x0 ss:$0x1], $0xffff;
	[tilespmem:s31+$0x30] =	vst v56  }
0x39: {  	v62 =	vld.idx.msk [tilespmem:v0+s14+$0x10 ss:$0x1], $0xffff;
	s13 =	sadd.s32 $0x1, s13;
	[tilespmem:s31+$0xFFFFFFC0] =	vst v57  }
0x3a: {  	v63 =	vld.idx.msk [tilespmem:v0+s14+$0x20 ss:$0x1], $0xffff;
	p1 =	sne.s32 s13, $0x10;
	[tilespmem:s31+$0xFFFFFFD0] =	vst v58  }
.Ltmp4:
0x3b: {  	[tilespmem:s31+$0xFFFFFFE0] =	vst v59;
	(pc) =	sbr.rel @p1 .LBB1_3-.Ltmp4, $4  }
0x3c: {  	[tilespmem:s31+$0xFFFFFFF0] =	vst v60  }
0x3d: {  	[tilespmem:s31+$0x0] =	vst v61  }
0x3e: {  	[tilespmem:s31+$0x10] =	vst v62  }
0x3f: {  	s10 =	sadd.s32 $0x80, s10;
	s11 =	sadd.s32 $0x400, s11;
	[tilespmem:s31+$0x20] =	vst v63  }
.Ltmp5:
0x40: {  	(pc) =	sbr.rel .LBB1_7-.Ltmp5, $4  }
0x41: {  	_ = 	snop  }
0x42: {  	s9 =	sshll.u32 s9, $0xB  }
0x43: {  	s9 =	sadd.s32 s3, s9  }
0x44: {  	[hbm4b:s9+s6] =	stream.linear.scatter [tilespmem:s12], [sflag:$0x2], $0x4000, $0x38;
	[tilespmem:$0x10000] =	vst v63  }
.LBB1_8:
0x45: {  	_ =	sfence.sel $0x180000  }
0x46: {  	s2 =	simm.s32 $0x1;
	[bflag:$0x0] =	sbarrier.arrive $0xFFFF  }
0x47: {  	s31 =	simm.s32 $0x2;
	[sflag:s2] =	ssyncpa.u1 $0x1  }
0x48: {  	[sflag:s31] =	ssyncpa.u1 $0x1  }
0x49: {  	p0 =	sne.s32 s1, $0x0;
	_ =	strace $0x90000047  }
0x4a: {  	s0 =	sadd.s32 @!p0 $0x100000, s0;
	[bflag:$0x2] =	sbarrier.arrive $0xFFFF  }
0x4b: {  	[sflag:s0] =	ssyncadd.tile.s32 @!p0 $0x1;
	_ =	shalt  }
.Lfunc_end1:
_tile_overlayer_lowered:
.L_overlay_start_2:
0x4c: {  	(tag) =	ssettag $0x2  }
0x4d: {  	s0 =	rddreg [dreg:$0x0];
	s2 =	stileid.u32  }
0x4e: {  	s1 =	rddreg [dreg:$0x1];
	p0 =	sne.s32 s2, $0x0  }
0x4f: {  	s3 =	rddreg [dreg:$0x2];
	[bflag:$0x3] =	sbarrier.arrive $0xFFFF;
	s2 =	simm.s32 @!p0 $0x1C01  }
0x50: {  	[timem:s3], [sflag:s2] =	dma.local @!p0 [hbm:s0], s1  }
0x51: {  	s0 =	simm.s32 @!p0 $0x1  }
0x52: {  	_ =	swait.ge @!p0 [sflag:s0], s1  }
0x53: {  	s1 =	ssub.s32 @!p0 $0x0, s1;
	[sflag:s0] =	ssyncset.done @!p0 $0x0  }
0x54: {  	[sflag:s0] =	ssyncadd.s32 @!p0 s1  }
0x55: {  	[bflag:$0x3] =	sbarrier.arrive $0xFFFF  }
0x56: {  	_ =	shalt  }

</sc_bundles>
